<compile_context>
chip_gen: v7x
topology: tpu7x:2x2x1
jax: 0.10.2.dev20260603
libtpu: 0.0.44.dev20260713+nightly
codegen_flags: <defaults>
</compile_context>

<pallas_src>
import functools

import jax
import jax.numpy as jnp
from jax import lax
from jax.experimental import pallas as pl
from jax.experimental.pallas import tpu as pltpu
from jax.experimental.pallas import tpu_sc as plsc

N_CORES = 2
N_SUB = 16
NW = N_CORES * N_SUB
CHUNK = 128
NBUF = 2
PAD_ROWS = 240


def _sc_segment_sum(h, e_flat, n_pad, n_group):
    D = h.shape[1]
    rows_per_sub = n_pad // N_SUB
    n_init = rows_per_sub // CHUNK

    mesh = plsc.VectorSubcoreMesh(core_axis_name="c", subcore_axis_name="s")

    @functools.partial(
        pl.kernel,
        out_type=(
            jax.ShapeDtypeStruct((N_CORES, n_pad, D), jnp.float32),
            jax.ShapeDtypeStruct((N_CORES * n_pad,), jnp.float32),
        ),
        mesh=mesh,
        scratch_types=[
            pltpu.VMEM((2, NBUF, CHUNK), jnp.int32),
            pltpu.VMEM((2, NBUF, CHUNK), jnp.int32),
            pltpu.VMEM((NBUF, CHUNK, D), jnp.float32),
            pltpu.VMEM((CHUNK,), jnp.float32),
            pltpu.VMEM((CHUNK,), jnp.float32),
            pltpu.VMEM_SHARED((n_pad, D), jnp.float32),
            pltpu.VMEM_SHARED((n_pad,), jnp.float32),
            [pltpu.SemaphoreType.DMA] * NBUF,
            [pltpu.SemaphoreType.DMA] * 2,
            pltpu.SemaphoreType.DMA,
        ],
    )
    def k(h_hbm, e_hbm, acc_hbm, deg_hbm,
          src_v, dst_v, rows_v, ones_v, zv, acc_sh, deg_sh, sem_g, sem_i,
          sem_s):
        c = lax.axis_index("c")
        s = lax.axis_index("s")
        wid = s * N_CORES + c

        zero16 = jnp.zeros((16,), jnp.float32)
        for i in range(CHUNK // 16):
            ones_v[pl.ds(i * 16, 16)] = jnp.ones((16,), jnp.float32)
            zv[pl.ds(i * 16, 16)] = zero16

        def zrow(r, carry):
            for j in range(D // 16):
                rows_v[0, r, pl.ds(j * 16, 16)] = zero16
            return carry

        lax.fori_loop(0, CHUNK, zrow, 0)

        r0 = s * rows_per_sub
        for t in range(n_init):
            pltpu.sync_copy(rows_v.at[0], acc_sh.at[pl.ds(r0 + t * CHUNK, CHUNK)])
            pltpu.sync_copy(zv, deg_sh.at[pl.ds(r0 + t * CHUNK, CHUNK)])

        plsc.subcore_barrier()

        ew = n_group * NBUF * CHUNK
        e_half = NW * ew
        src0 = wid * ew
        dst0 = e_half + wid * ew

        for bi in range(NBUF):
            pltpu.sync_copy(e_hbm.at[pl.ds(src0 + bi * CHUNK, CHUNK)],
                            src_v.at[0, bi])
            pltpu.sync_copy(e_hbm.at[pl.ds(dst0 + bi * CHUNK, CHUNK)],
                            dst_v.at[0, bi])

        def group(g, p):
            gn = jnp.minimum(g + 1, n_group - 1) * (NBUF * CHUNK)
            ip = []
            for bi in range(NBUF):
                ip.append(pltpu.async_copy(
                    e_hbm.at[pl.ds(src0 + gn + bi * CHUNK, CHUNK)],
                    src_v.at[1 - p, bi], sem_i[0]))
                ip.append(pltpu.async_copy(
                    e_hbm.at[pl.ds(dst0 + gn + bi * CHUNK, CHUNK)],
                    dst_v.at[1 - p, bi], sem_i[1]))
            gathers = [
                pltpu.async_copy(h_hbm.at[src_v.at[p, bi]],
                                 rows_v.at[bi], sem_g[bi])
                for bi in range(NBUF)
            ]
            scat = []
            for bi in range(NBUF):
                gathers[bi].wait()
                scat.append(
                    pltpu.async_copy(rows_v.at[bi],
                                     acc_sh.at[dst_v.at[p, bi]],
                                     sem_s, add=True))
                scat.append(
                    pltpu.async_copy(ones_v,
                                     deg_sh.at[dst_v.at[p, bi]],
                                     sem_s, add=True))
            for d in scat:
                d.wait()
            for d in ip:
                d.wait()
            return 1 - p

        lax.fori_loop(0, n_group, group, 0)

        plsc.subcore_barrier()

        pltpu.sync_copy(acc_sh.at[pl.ds(r0, rows_per_sub)],
                        acc_hbm.at[c, pl.ds(r0, rows_per_sub)])
        pltpu.sync_copy(deg_sh.at[pl.ds(r0, rows_per_sub)],
                        deg_hbm.at[pl.ds(c * n_pad + r0, rows_per_sub)])

    return k(h, e_flat)


def _edge_prep_kernel(e_ref, o_ref, *, E, npad_e, N, pad_rows):
    io = lax.iota(jnp.int32, npad_e)
    o_ref[pl.ds(0, E)] = e_ref[0, :]
    o_ref[pl.ds(E, npad_e)] = (io * 37) % N
    o_ref[pl.ds(E + npad_e, E)] = e_ref[1, :]
    o_ref[pl.ds(2 * E + npad_e, npad_e)] = N + (io % pad_rows)


def _proj_kernel(x_ref, w_ref, o_ref):
    o_ref[...] = jnp.dot(x_ref[...], w_ref[...],
                         preferred_element_type=jnp.float32)


def _final_kernel(p_ref, d_ref, h_ref, w_ref, b_ref, o_ref):
    agg = p_ref[0] + p_ref[1] + h_ref[...]
    deg = d_ref[:, 0] + d_ref[:, 1] + 1.0
    agg = agg / deg[:, None]
    o_ref[...] = jnp.maximum(
        jnp.dot(agg, w_ref[...], preferred_element_type=jnp.float32)
        + b_ref[...], 0.0)


def kernel(x, edge_index, W_proj, W_out, b):
    N, D = x.shape
    E = edge_index.shape[1]

    step = CHUNK * NBUF
    epw = E // NW
    ew = ((epw + step - 1) // step) * step
    n_group = ew // step
    e_pad = NW * ew
    n_pad = N + PAD_ROWS

    npad_e = e_pad - E
    e_flat = pl.pallas_call(
        functools.partial(_edge_prep_kernel, E=E, npad_e=npad_e, N=N,
                          pad_rows=PAD_ROWS),
        grid=(1,),
        in_specs=[pl.BlockSpec((2, E), lambda i: (0, 0))],
        out_specs=pl.BlockSpec((2 * e_pad,), lambda i: (0,)),
        out_shape=jax.ShapeDtypeStruct((2 * e_pad,), jnp.int32),
    )(edge_index)

    blk = 2000
    grid = N // blk
    h = pl.pallas_call(
        _proj_kernel,
        grid=(grid,),
        in_specs=[pl.BlockSpec((blk, D), lambda i: (i, 0)),
                  pl.BlockSpec((D, D), lambda i: (0, 0))],
        out_specs=pl.BlockSpec((blk, D), lambda i: (i, 0)),
        out_shape=jax.ShapeDtypeStruct((N, D), jnp.float32),
    )(x, W_proj)

    acc, deg = _sc_segment_sum(h, e_flat, n_pad, n_group)
    deg = deg.reshape(N_CORES, n_pad)[:, :N].T

    out = pl.pallas_call(
        _final_kernel,
        grid=(grid,),
        in_specs=[
            pl.BlockSpec((N_CORES, blk, D), lambda i: (0, i, 0)),
            pl.BlockSpec((blk, N_CORES), lambda i: (i, 0)),
            pl.BlockSpec((blk, D), lambda i: (i, 0)),
            pl.BlockSpec((D, D), lambda i: (0, 0)),
            pl.BlockSpec((1, D), lambda i: (0, 0)),
        ],
        out_specs=pl.BlockSpec((blk, D), lambda i: (i, 0)),
        out_shape=jax.ShapeDtypeStruct((N, D), jnp.float32),
    )(acc, deg, h, W_out, b.reshape(1, D))
    return out

# --- scband reference (transcript-rebuilt; emitter-appended) ---
"""Pipeline reference for scband-bert-csrmodel-7473243095239 (READ-ONLY COPY).

The authoritative reference and input builder live on the scoring server;
editing this copy changes nothing except your own understanding.
"""

import jax, jax.numpy as jnp
import numpy as np


def setup_inputs(seed: int = 0) -> dict:
    key = jax.random.key(seed)
    k1, k2, k3, k4, k5 = jax.random.split(key, 5)
    N, E, D = 10000, 320000, 128
    x = jax.random.normal(k1, (N, D), dtype=jnp.float32)
    edge_index = jax.random.randint(k2, (2, E), 0, N, dtype=jnp.int32)
    # learned parameters (CGE-style projection + output transform)
    W_proj = jax.random.normal(k3, (D, D), dtype=jnp.float32) * (1.0 / np.sqrt(D))
    W_out = jax.random.normal(k4, (D, D), dtype=jnp.float32) * (1.0 / np.sqrt(D))
    b = jax.random.normal(k5, (D,), dtype=jnp.float32) * 0.01
    return {"x": x, "edge_index": edge_index, "W_proj": W_proj, "W_out": W_out, "b": b}


def reference(x, edge_index, W_proj, W_out, b):
    # One iteration of the CGE message-passing step used inside bertCSRModel:
    # event_embed = proj(event_embed); edges get self-loops appended (as in forward),
    # then neighbor messages are aggregated per destination node and transformed.
    N = x.shape[0]
    h = x @ W_proj  # self.CGE.proj['event'](event_embed)
    src = edge_index[0]
    dst = edge_index[1]
    loop = jnp.arange(N, dtype=src.dtype)
    src = jnp.concatenate([src, loop])  # self_loop concat as in forward()
    dst = jnp.concatenate([dst, loop])
    msgs = jnp.take(h, src, axis=0)  # gather source-node features along edges
    agg = jax.ops.segment_sum(msgs, dst, num_segments=N)  # scatter-add by dst
    deg = jax.ops.segment_sum(jnp.ones_like(dst, dtype=h.dtype), dst, num_segments=N)
    agg = agg / jnp.maximum(deg, 1.0)[:, None]
    out = jax.nn.relu(agg @ W_out + b)
    return out

if __name__ == "__main__":
    import jax
    _d = setup_inputs()
    print(jax.jit(kernel)(*tuple(_d.values())))

</pallas_src>

<mosaic_0001>
#map = affine_map<(d0, d1) -> (0, 0)>
#map1 = affine_map<(d0, d1) -> (0)>
#map2 = affine_map<(d0, d1) -> (0, 0, 0)>
module attributes {stable_mosaic.version = 14 : i64} {
  func.func @k(%arg0: i32, %arg1: i32, %arg2: memref<10000x128xf32, #tpu.memory_space<hbm>>, %arg3: memref<655360xi32, #tpu.memory_space<hbm>>, %arg4: memref<2x10240x128xf32, #tpu.memory_space<hbm>>, %arg5: memref<20480xf32, #tpu.memory_space<hbm>>, %arg6: memref<2x2x128xi32, #tpu.memory_space<vmem>>, %arg7: memref<2x2x128xi32, #tpu.memory_space<vmem>>, %arg8: memref<2x128x128xf32, #tpu.memory_space<vmem>>, %arg9: memref<128xf32, #tpu.memory_space<vmem>>, %arg10: memref<128xf32, #tpu.memory_space<vmem>>, %arg11: memref<10240x128xf32, #tpu.memory_space<vmem_shared>>, %arg12: memref<10240xf32, #tpu.memory_space<vmem_shared>>, %arg13: memref<!tpu.dma_semaphore, #tpu.memory_space<semaphore_mem>>, %arg14: memref<!tpu.dma_semaphore, #tpu.memory_space<semaphore_mem>>, %arg15: memref<!tpu.dma_semaphore, #tpu.memory_space<semaphore_mem>>, %arg16: memref<!tpu.dma_semaphore, #tpu.memory_space<semaphore_mem>>, %arg17: memref<!tpu.dma_semaphore, #tpu.memory_space<semaphore_mem>>) attributes {dimension_semantics = [#tpu.dimension_semantics<core_parallel>, #tpu.dimension_semantics<subcore_parallel>], iteration_bounds = array<i64: 2, 16>, scalar_prefetch = 0 : i64, scratch_operands = 12 : i64, tpu.core_type = #tpu.core_type<sc_vector_subcore>, window_params = [{transform_indices = #map}, {transform_indices = #map1}, {transform_indices = #map2}, {transform_indices = #map1}]} {
    %mul3A = arith.constant 2 : i32
    %mul3A_0 = arith.muli %arg1, %mul3A : i32
    %add3A = arith.addi %mul3A_0, %arg0 : i32
    %broadcast_in_dim3A = arith.constant 0.000000e+00 : f32
    %broadcast_in_dim3A_1 = vector.broadcast %broadcast_in_dim3A : f32 to vector<16xf32>
    %broadcast_in_dim3A_2 = arith.constant 1.000000e+00 : f32
    %broadcast_in_dim3A_3 = vector.broadcast %broadcast_in_dim3A_2 : f32 to vector<16xf32>
    %swap3A = arith.constant 0 : index
    %swap3A_4 = tpu.vector_load %arg9[%swap3A] {strides = array<i32>} : memref<128xf32, #tpu.memory_space<vmem>>, vector<16xf32>,
    %swap3A_5 = vector.shape_cast %swap3A_4 : vector<16xf32> to vector<16xf32>
    %swap3A_6 = vector.shape_cast %broadcast_in_dim3A_3 : vector<16xf32> to vector<16xf32>
    tpu.vector_store %arg9[%swap3A], %swap3A_6 {strides = array<i32>} : memref<128xf32, #tpu.memory_space<vmem>>, vector<16xf32>,
    %swap3A_7 = arith.constant 0 : index
    %swap3A_8 = tpu.vector_load %arg10[%swap3A_7] {strides = array<i32>} : memref<128xf32, #tpu.memory_space<vmem>>, vector<16xf32>,
    %swap3A_9 = vector.shape_cast %swap3A_8 : vector<16xf32> to vector<16xf32>
    %swap3A_10 = vector.shape_cast %broadcast_in_dim3A_1 : vector<16xf32> to vector<16xf32>
    tpu.vector_store %arg10[%swap3A_7], %swap3A_10 {strides = array<i32>} : memref<128xf32, #tpu.memory_space<vmem>>, vector<16xf32>,
    %broadcast_in_dim3A_11 = arith.constant 1.000000e+00 : f32
    %broadcast_in_dim3A_12 = vector.broadcast %broadcast_in_dim3A_11 : f32 to vector<16xf32>
    %swap3A_13 = arith.constant 16 : index
    %swap3A_14 = tpu.vector_load %arg9[%swap3A_13] {strides = array<i32>} : memref<128xf32, #tpu.memory_space<vmem>>, vector<16xf32>,
    %swap3A_15 = vector.shape_cast %swap3A_14 : vector<16xf32> to vector<16xf32>
    %swap3A_16 = vector.shape_cast %broadcast_in_dim3A_12 : vector<16xf32> to vector<16xf32>
    tpu.vector_store %arg9[%swap3A_13], %swap3A_16 {strides = array<i32>} : memref<128xf32, #tpu.memory_space<vmem>>, vector<16xf32>,
    %swap3A_17 = arith.constant 16 : index
    %swap3A_18 = tpu.vector_load %arg10[%swap3A_17] {strides = array<i32>} : memref<128xf32, #tpu.memory_space<vmem>>, vector<16xf32>,
    %swap3A_19 = vector.shape_cast %swap3A_18 : vector<16xf32> to vector<16xf32>
    %swap3A_20 = vector.shape_cast %broadcast_in_dim3A_1 : vector<16xf32> to vector<16xf32>
    tpu.vector_store %arg10[%swap3A_17], %swap3A_20 {strides = array<i32>} : memref<128xf32, #tpu.memory_space<vmem>>, vector<16xf32>,
    %broadcast_in_dim3A_21 = arith.constant 1.000000e+00 : f32
    %broadcast_in_dim3A_22 = vector.broadcast %broadcast_in_dim3A_21 : f32 to vector<16xf32>
    %swap3A_23 = arith.constant 32 : index
    %swap3A_24 = tpu.vector_load %arg9[%swap3A_23] {strides = array<i32>} : memref<128xf32, #tpu.memory_space<vmem>>, vector<16xf32>,
    %swap3A_25 = vector.shape_cast %swap3A_24 : vector<16xf32> to vector<16xf32>
    %swap3A_26 = vector.shape_cast %broadcast_in_dim3A_22 : vector<16xf32> to vector<16xf32>
    tpu.vector_store %arg9[%swap3A_23], %swap3A_26 {strides = array<i32>} : memref<128xf32, #tpu.memory_space<vmem>>, vector<16xf32>,
    %swap3A_27 = arith.constant 32 : index
    %swap3A_28 = tpu.vector_load %arg10[%swap3A_27] {strides = array<i32>} : memref<128xf32, #tpu.memory_space<vmem>>, vector<16xf32>,
    %swap3A_29 = vector.shape_cast %swap3A_28 : vector<16xf32> to vector<16xf32>
    %swap3A_30 = vector.shape_cast %broadcast_in_dim3A_1 : vector<16xf32> to vector<16xf32>
    tpu.vector_store %arg10[%swap3A_27], %swap3A_30 {strides = array<i32>} : memref<128xf32, #tpu.memory_space<vmem>>, vector<16xf32>,
    %broadcast_in_dim3A_31 = arith.constant 1.000000e+00 : f32
    %broadcast_in_dim3A_32 = vector.broadcast %broadcast_in_dim3A_31 : f32 to vector<16xf32>
    %swap3A_33 = arith.constant 48 : index
    %swap3A_34 = tpu.vector_load %arg9[%swap3A_33] {strides = array<i32>} : memref<128xf32, #tpu.memory_space<vmem>>, vector<16xf32>,
    %swap3A_35 = vector.shape_cast %swap3A_34 : vector<16xf32> to vector<16xf32>
    %swap3A_36 = vector.shape_cast %broadcast_in_dim3A_32 : vector<16xf32> to vector<16xf32>
    tpu.vector_store %arg9[%swap3A_33], %swap3A_36 {strides = array<i32>} : memref<128xf32, #tpu.memory_space<vmem>>, vector<16xf32>,
    %swap3A_37 = arith.constant 48 : index
    %swap3A_38 = tpu.vector_load %arg10[%swap3A_37] {strides = array<i32>} : memref<128xf32, #tpu.memory_space<vmem>>, vector<16xf32>,
    %swap3A_39 = vector.shape_cast %swap3A_38 : vector<16xf32> to vector<16xf32>
    %swap3A_40 = vector.shape_cast %broadcast_in_dim3A_1 : vector<16xf32> to vector<16xf32>
    tpu.vector_store %arg10[%swap3A_37], %swap3A_40 {strides = array<i32>} : memref<128xf32, #tpu.memory_space<vmem>>, vector<16xf32>,
    %broadcast_in_dim3A_41 = arith.constant 1.000000e+00 : f32
    %broadcast_in_dim3A_42 = vector.broadcast %broadcast_in_dim3A_41 : f32 to vector<16xf32>
    %swap3A_43 = arith.constant 64 : index
    %swap3A_44 = tpu.vector_load %arg9[%swap3A_43] {strides = array<i32>} : memref<128xf32, #tpu.memory_space<vmem>>, vector<16xf32>,
    %swap3A_45 = vector.shape_cast %swap3A_44 : vector<16xf32> to vector<16xf32>
    %swap3A_46 = vector.shape_cast %broadcast_in_dim3A_42 : vector<16xf32> to vector<16xf32>
    tpu.vector_store %arg9[%swap3A_43], %swap3A_46 {strides = array<i32>} : memref<128xf32, #tpu.memory_space<vmem>>, vector<16xf32>,
    %swap3A_47 = arith.constant 64 : index
    %swap3A_48 = tpu.vector_load %arg10[%swap3A_47] {strides = array<i32>} : memref<128xf32, #tpu.memory_space<vmem>>, vector<16xf32>,
    %swap3A_49 = vector.shape_cast %swap3A_48 : vector<16xf32> to vector<16xf32>
    %swap3A_50 = vector.shape_cast %broadcast_in_dim3A_1 : vector<16xf32> to vector<16xf32>
    tpu.vector_store %arg10[%swap3A_47], %swap3A_50 {strides = array<i32>} : memref<128xf32, #tpu.memory_space<vmem>>, vector<16xf32>,
    %broadcast_in_dim3A_51 = arith.constant 1.000000e+00 : f32
    %broadcast_in_dim3A_52 = vector.broadcast %broadcast_in_dim3A_51 : f32 to vector<16xf32>
    %swap3A_53 = arith.constant 80 : index
    %swap3A_54 = tpu.vector_load %arg9[%swap3A_53] {strides = array<i32>} : memref<128xf32, #tpu.memory_space<vmem>>, vector<16xf32>,
    %swap3A_55 = vector.shape_cast %swap3A_54 : vector<16xf32> to vector<16xf32>
    %swap3A_56 = vector.shape_cast %broadcast_in_dim3A_52 : vector<16xf32> to vector<16xf32>
    tpu.vector_store %arg9[%swap3A_53], %swap3A_56 {strides = array<i32>} : memref<128xf32, #tpu.memory_space<vmem>>, vector<16xf32>,
    %swap3A_57 = arith.constant 80 : index
    %swap3A_58 = tpu.vector_load %arg10[%swap3A_57] {strides = array<i32>} : memref<128xf32, #tpu.memory_space<vmem>>, vector<16xf32>,
    %swap3A_59 = vector.shape_cast %swap3A_58 : vector<16xf32> to vector<16xf32>
    %swap3A_60 = vector.shape_cast %broadcast_in_dim3A_1 : vector<16xf32> to vector<16xf32>
    tpu.vector_store %arg10[%swap3A_57], %swap3A_60 {strides = array<i32>} : memref<128xf32, #tpu.memory_space<vmem>>, vector<16xf32>,
    %broadcast_in_dim3A_61 = arith.constant 1.000000e+00 : f32
    %broadcast_in_dim3A_62 = vector.broadcast %broadcast_in_dim3A_61 : f32 to vector<16xf32>
    %swap3A_63 = arith.constant 96 : index
    %swap3A_64 = tpu.vector_load %arg9[%swap3A_63] {strides = array<i32>} : memref<128xf32, #tpu.memory_space<vmem>>, vector<16xf32>,
    %swap3A_65 = vector.shape_cast %swap3A_64 : vector<16xf32> to vector<16xf32>
    %swap3A_66 = vector.shape_cast %broadcast_in_dim3A_62 : vector<16xf32> to vector<16xf32>
    tpu.vector_store %arg9[%swap3A_63], %swap3A_66 {strides = array<i32>} : memref<128xf32, #tpu.memory_space<vmem>>, vector<16xf32>,
    %swap3A_67 = arith.constant 96 : index
    %swap3A_68 = tpu.vector_load %arg10[%swap3A_67] {strides = array<i32>} : memref<128xf32, #tpu.memory_space<vmem>>, vector<16xf32>,
    %swap3A_69 = vector.shape_cast %swap3A_68 : vector<16xf32> to vector<16xf32>
    %swap3A_70 = vector.shape_cast %broadcast_in_dim3A_1 : vector<16xf32> to vector<16xf32>
    tpu.vector_store %arg10[%swap3A_67], %swap3A_70 {strides = array<i32>} : memref<128xf32, #tpu.memory_space<vmem>>, vector<16xf32>,
    %broadcast_in_dim3A_71 = arith.constant 1.000000e+00 : f32
    %broadcast_in_dim3A_72 = vector.broadcast %broadcast_in_dim3A_71 : f32 to vector<16xf32>
    %swap3A_73 = arith.constant 112 : index
    %swap3A_74 = tpu.vector_load %arg9[%swap3A_73] {strides = array<i32>} : memref<128xf32, #tpu.memory_space<vmem>>, vector<16xf32>,
    %swap3A_75 = vector.shape_cast %swap3A_74 : vector<16xf32> to vector<16xf32>
    %swap3A_76 = vector.shape_cast %broadcast_in_dim3A_72 : vector<16xf32> to vector<16xf32>
    tpu.vector_store %arg9[%swap3A_73], %swap3A_76 {strides = array<i32>} : memref<128xf32, #tpu.memory_space<vmem>>, vector<16xf32>,
    %swap3A_77 = arith.constant 112 : index
    %swap3A_78 = tpu.vector_load %arg10[%swap3A_77] {strides = array<i32>} : memref<128xf32, #tpu.memory_space<vmem>>, vector<16xf32>,
    %swap3A_79 = vector.shape_cast %swap3A_78 : vector<16xf32> to vector<16xf32>
    %swap3A_80 = vector.shape_cast %broadcast_in_dim3A_1 : vector<16xf32> to vector<16xf32>
    tpu.vector_store %arg10[%swap3A_77], %swap3A_80 {strides = array<i32>} : memref<128xf32, #tpu.memory_space<vmem>>, vector<16xf32>,
    %scan3A = arith.constant 0 : i32
    %scan3A_81 = arith.constant 0 : i32
    %scan3A_82 = arith.constant 128 : i32
    %scan3A_83 = arith.addi %scan3A_81, %scan3A_82 : i32
    %scan3A_84 = arith.constant 1 : i32
    scf.for %scan3A_145 = %scan3A_81 to %scan3A_83 step %scan3A_84  : i32 {
      %swap3A_146 = arith.constant 0 : i32
      %swap3A_147 = arith.index_cast %swap3A_146 : i32 to index
      %swap3A_148 = arith.index_cast %scan3A_145 : i32 to index
      %swap3A_149 = arith.constant 0 : index
      %swap3A_150 = tpu.vector_load %arg8[%swap3A_147, %swap3A_148, %swap3A_149] {strides = array<i32>} : memref<2x128x128xf32, #tpu.memory_space<vmem>>, vector<1x1x16xf32>,
      %swap3A_151 = vector.shape_cast %swap3A_150 : vector<1x1x16xf32> to vector<16xf32>
      %swap3A_152 = vector.shape_cast %broadcast_in_dim3A_1 : vector<16xf32> to vector<1x1x16xf32>
      tpu.vector_store %arg8[%swap3A_147, %swap3A_148, %swap3A_149], %swap3A_152 {strides = array<i32>} : memref<2x128x128xf32, #tpu.memory_space<vmem>>, vector<1x1x16xf32>,
      %swap3A_153 = arith.constant 0 : i32
      %swap3A_154 = arith.index_cast %swap3A_153 : i32 to index
      %swap3A_155 = arith.index_cast %scan3A_145 : i32 to index
      %swap3A_156 = arith.constant 16 : index
      %swap3A_157 = tpu.vector_load %arg8[%swap3A_154, %swap3A_155, %swap3A_156] {strides = array<i32>} : memref<2x128x128xf32, #tpu.memory_space<vmem>>, vector<1x1x16xf32>,
      %swap3A_158 = vector.shape_cast %swap3A_157 : vector<1x1x16xf32> to vector<16xf32>
      %swap3A_159 = vector.shape_cast %broadcast_in_dim3A_1 : vector<16xf32> to vector<1x1x16xf32>
      tpu.vector_store %arg8[%swap3A_154, %swap3A_155, %swap3A_156], %swap3A_159 {strides = array<i32>} : memref<2x128x128xf32, #tpu.memory_space<vmem>>, vector<1x1x16xf32>,
      %swap3A_160 = arith.constant 0 : i32
      %swap3A_161 = arith.index_cast %swap3A_160 : i32 to index
      %swap3A_162 = arith.index_cast %scan3A_145 : i32 to index
      %swap3A_163 = arith.constant 32 : index
      %swap3A_164 = tpu.vector_load %arg8[%swap3A_161, %swap3A_162, %swap3A_163] {strides = array<i32>} : memref<2x128x128xf32, #tpu.memory_space<vmem>>, vector<1x1x16xf32>,
      %swap3A_165 = vector.shape_cast %swap3A_164 : vector<1x1x16xf32> to vector<16xf32>
      %swap3A_166 = vector.shape_cast %broadcast_in_dim3A_1 : vector<16xf32> to vector<1x1x16xf32>
      tpu.vector_store %arg8[%swap3A_161, %swap3A_162, %swap3A_163], %swap3A_166 {strides = array<i32>} : memref<2x128x128xf32, #tpu.memory_space<vmem>>, vector<1x1x16xf32>,
      %swap3A_167 = arith.constant 0 : i32
      %swap3A_168 = arith.index_cast %swap3A_167 : i32 to index
      %swap3A_169 = arith.index_cast %scan3A_145 : i32 to index
      %swap3A_170 = arith.constant 48 : index
      %swap3A_171 = tpu.vector_load %arg8[%swap3A_168, %swap3A_169, %swap3A_170] {strides = array<i32>} : memref<2x128x128xf32, #tpu.memory_space<vmem>>, vector<1x1x16xf32>,
      %swap3A_172 = vector.shape_cast %swap3A_171 : vector<1x1x16xf32> to vector<16xf32>
      %swap3A_173 = vector.shape_cast %broadcast_in_dim3A_1 : vector<16xf32> to vector<1x1x16xf32>
      tpu.vector_store %arg8[%swap3A_168, %swap3A_169, %swap3A_170], %swap3A_173 {strides = array<i32>} : memref<2x128x128xf32, #tpu.memory_space<vmem>>, vector<1x1x16xf32>,
      %swap3A_174 = arith.constant 0 : i32
      %swap3A_175 = arith.index_cast %swap3A_174 : i32 to index
      %swap3A_176 = arith.index_cast %scan3A_145 : i32 to index
      %swap3A_177 = arith.constant 64 : index
      %swap3A_178 = tpu.vector_load %arg8[%swap3A_175, %swap3A_176, %swap3A_177] {strides = array<i32>} : memref<2x128x128xf32, #tpu.memory_space<vmem>>, vector<1x1x16xf32>,
      %swap3A_179 = vector.shape_cast %swap3A_178 : vector<1x1x16xf32> to vector<16xf32>
      %swap3A_180 = vector.shape_cast %broadcast_in_dim3A_1 : vector<16xf32> to vector<1x1x16xf32>
      tpu.vector_store %arg8[%swap3A_175, %swap3A_176, %swap3A_177], %swap3A_180 {strides = array<i32>} : memref<2x128x128xf32, #tpu.memory_space<vmem>>, vector<1x1x16xf32>,
      %swap3A_181 = arith.constant 0 : i32
      %swap3A_182 = arith.index_cast %swap3A_181 : i32 to index
      %swap3A_183 = arith.index_cast %scan3A_145 : i32 to index
      %swap3A_184 = arith.constant 80 : index
      %swap3A_185 = tpu.vector_load %arg8[%swap3A_182, %swap3A_183, %swap3A_184] {strides = array<i32>} : memref<2x128x128xf32, #tpu.memory_space<vmem>>, vector<1x1x16xf32>,
      %swap3A_186 = vector.shape_cast %swap3A_185 : vector<1x1x16xf32> to vector<16xf32>
      %swap3A_187 = vector.shape_cast %broadcast_in_dim3A_1 : vector<16xf32> to vector<1x1x16xf32>
      tpu.vector_store %arg8[%swap3A_182, %swap3A_183, %swap3A_184], %swap3A_187 {strides = array<i32>} : memref<2x128x128xf32, #tpu.memory_space<vmem>>, vector<1x1x16xf32>,
      %swap3A_188 = arith.constant 0 : i32
      %swap3A_189 = arith.index_cast %swap3A_188 : i32 to index
      %swap3A_190 = arith.index_cast %scan3A_145 : i32 to index
      %swap3A_191 = arith.constant 96 : index
      %swap3A_192 = tpu.vector_load %arg8[%swap3A_189, %swap3A_190, %swap3A_191] {strides = array<i32>} : memref<2x128x128xf32, #tpu.memory_space<vmem>>, vector<1x1x16xf32>,
      %swap3A_193 = vector.shape_cast %swap3A_192 : vector<1x1x16xf32> to vector<16xf32>
      %swap3A_194 = vector.shape_cast %broadcast_in_dim3A_1 : vector<16xf32> to vector<1x1x16xf32>
      tpu.vector_store %arg8[%swap3A_189, %swap3A_190, %swap3A_191], %swap3A_194 {strides = array<i32>} : memref<2x128x128xf32, #tpu.memory_space<vmem>>, vector<1x1x16xf32>,
      %swap3A_195 = arith.constant 0 : i32
      %swap3A_196 = arith.index_cast %swap3A_195 : i32 to index
      %swap3A_197 = arith.index_cast %scan3A_145 : i32 to index
      %swap3A_198 = arith.constant 112 : index
      %swap3A_199 = tpu.vector_load %arg8[%swap3A_196, %swap3A_197, %swap3A_198] {strides = array<i32>} : memref<2x128x128xf32, #tpu.memory_space<vmem>>, vector<1x1x16xf32>,
      %swap3A_200 = vector.shape_cast %swap3A_199 : vector<1x1x16xf32> to vector<16xf32>
      %swap3A_201 = vector.shape_cast %broadcast_in_dim3A_1 : vector<16xf32> to vector<1x1x16xf32>
      tpu.vector_store %arg8[%swap3A_196, %swap3A_197, %swap3A_198], %swap3A_201 {strides = array<i32>} : memref<2x128x128xf32, #tpu.memory_space<vmem>>, vector<1x1x16xf32>,
    }
    %scan3A_85 = arith.constant 128 : i32
    %mul3A_86 = arith.constant 640 : i32
    %mul3A_87 = arith.muli %arg1, %mul3A_86 : i32
    %add3A_88 = arith.constant 0 : i32
    %add3A_89 = arith.addi %mul3A_87, %add3A_88 : i32
    %run_scoped3A = arith.constant 0 : i32
    "tpu.region"() ({
      %run_scoped3A_145 = tpu.sem_alloc : memref<!tpu.dma_semaphore, #tpu.memory_space<semaphore_mem>>
      %dma_start3A = arith.constant 0 : i32
      %dma_start3A_146 = arith.constant 0 : i32
      %dma_start3A_147 = tpu.memref_slice %arg8[%run_scoped3A, %dma_start3A, %dma_start3A_146] : memref<2x128x128xf32, #tpu.memory_space<vmem>> -> memref<1x128x128xf32, #tpu.memory_space<vmem>>
      %dma_start3A_148 = tpu.memref_squeeze %dma_start3A_147 : memref<1x128x128xf32, #tpu.memory_space<vmem>> -> memref<128x128xf32, #tpu.memory_space<vmem>>
      %dma_start3A_149 = arith.constant 0 : i32
      %dma_start3A_150 = tpu.memref_slice %arg11[%add3A_89, %dma_start3A_149] : memref<10240x128xf32, #tpu.memory_space<vmem_shared>> -> memref<128x128xf32, #tpu.memory_space<vmem_shared>>
      %dma_start3A_151 = arith.constant 0 : i32
      %dma_start3A_152 = tpu.memref_slice %arg11[%add3A_89, %dma_start3A_151] : memref<10240x128xf32, #tpu.memory_space<vmem_shared>> -> memref<128x128xf32, #tpu.memory_space<vmem_shared>>
      %dma_start3A_153 = arith.constant 0 : i32
      %dma_start3A_154 = arith.constant 0 : i32
      %dma_start3A_155 = tpu.memref_slice %arg8[%run_scoped3A, %dma_start3A_153, %dma_start3A_154] : memref<2x128x128xf32, #tpu.memory_space<vmem>> -> memref<1x128x128xf32, #tpu.memory_space<vmem>>
      %dma_start3A_156 = tpu.memref_squeeze %dma_start3A_155 : memref<1x128x128xf32, #tpu.memory_space<vmem>> -> memref<128x128xf32, #tpu.memory_space<vmem>>
      tpu.enqueue_dma source(%dma_start3A_156 : memref<128x128xf32, #tpu.memory_space<vmem>>) target(%dma_start3A_152 : memref<128x128xf32, #tpu.memory_space<vmem_shared>>) target_semaphore(%run_scoped3A_145 : memref<!tpu.dma_semaphore, #tpu.memory_space<semaphore_mem>>)
      %dma_wait3A = arith.constant 0 : i32
      %dma_wait3A_157 = arith.constant 0 : i32
      %dma_wait3A_158 = tpu.memref_slice %arg8[%run_scoped3A, %dma_wait3A, %dma_wait3A_157] : memref<2x128x128xf32, #tpu.memory_space<vmem>> -> memref<1x128x128xf32, #tpu.memory_space<vmem>>
      %dma_wait3A_159 = tpu.memref_squeeze %dma_wait3A_158 : memref<1x128x128xf32, #tpu.memory_space<vmem>> -> memref<128x128xf32, #tpu.memory_space<vmem>>
      %dma_wait3A_160 = arith.constant 0 : i32
      %dma_wait3A_161 = tpu.memref_slice %arg11[%add3A_89, %dma_wait3A_160] : memref<10240x128xf32, #tpu.memory_space<vmem_shared>> -> memref<128x128xf32, #tpu.memory_space<vmem_shared>>
      %dma_wait3A_162 = arith.constant 0 : i32
      %dma_wait3A_163 = tpu.memref_slice %arg11[%add3A_89, %dma_wait3A_162] : memref<10240x128xf32, #tpu.memory_space<vmem_shared>> -> memref<128x128xf32, #tpu.memory_space<vmem_shared>>
      %dma_wait3A_164 = arith.constant 0 : i32
      %dma_wait3A_165 = arith.constant 0 : i32
      %dma_wait3A_166 = tpu.memref_slice %arg8[%run_scoped3A, %dma_wait3A_164, %dma_wait3A_165] : memref<2x128x128xf32, #tpu.memory_space<vmem>> -> memref<1x128x128xf32, #tpu.memory_space<vmem>>
      %dma_wait3A_167 = tpu.memref_squeeze %dma_wait3A_166 : memref<1x128x128xf32, #tpu.memory_space<vmem>> -> memref<128x128xf32, #tpu.memory_space<vmem>>
      tpu.wait_dma2 semaphore(%run_scoped3A_145 : memref<!tpu.dma_semaphore, #tpu.memory_space<semaphore_mem>>) src(%dma_wait3A_167 : memref<128x128xf32, #tpu.memory_space<vmem>>) dst(%dma_wait3A_163 : memref<128x128xf32, #tpu.memory_space<vmem_shared>>)
      tpu.yield
    }) : () -> ()
    %add3A_90 = arith.constant 0 : i32
    %add3A_91 = arith.addi %mul3A_87, %add3A_90 : i32
    "tpu.region"() ({
      %run_scoped3A_145 = tpu.sem_alloc : memref<!tpu.dma_semaphore, #tpu.memory_space<semaphore_mem>>
      %dma_start3A = tpu.memref_slice %arg12[%add3A_91] : memref<10240xf32, #tpu.memory_space<vmem_shared>> -> memref<128xf32, #tpu.memory_space<vmem_shared>>
      %dma_start3A_146 = tpu.memref_slice %arg12[%add3A_91] : memref<10240xf32, #tpu.memory_space<vmem_shared>> -> memref<128xf32, #tpu.memory_space<vmem_shared>>
      tpu.enqueue_dma source(%arg10 : memref<128xf32, #tpu.memory_space<vmem>>) target(%dma_start3A_146 : memref<128xf32, #tpu.memory_space<vmem_shared>>) target_semaphore(%run_scoped3A_145 : memref<!tpu.dma_semaphore, #tpu.memory_space<semaphore_mem>>)
      %dma_wait3A = tpu.memref_slice %arg12[%add3A_91] : memref<10240xf32, #tpu.memory_space<vmem_shared>> -> memref<128xf32, #tpu.memory_space<vmem_shared>>
      %dma_wait3A_147 = tpu.memref_slice %arg12[%add3A_91] : memref<10240xf32, #tpu.memory_space<vmem_shared>> -> memref<128xf32, #tpu.memory_space<vmem_shared>>
      tpu.wait_dma2 semaphore(%run_scoped3A_145 : memref<!tpu.dma_semaphore, #tpu.memory_space<semaphore_mem>>) src(%arg10 : memref<128xf32, #tpu.memory_space<vmem>>) dst(%dma_wait3A_147 : memref<128xf32, #tpu.memory_space<vmem_shared>>)
      tpu.yield
    }) : () -> ()
    %add3A_92 = arith.constant 128 : i32
    %add3A_93 = arith.addi %mul3A_87, %add3A_92 : i32
    %run_scoped3A_94 = arith.constant 0 : i32
    "tpu.region"() ({
      %run_scoped3A_145 = tpu.sem_alloc : memref<!tpu.dma_semaphore, #tpu.memory_space<semaphore_mem>>
      %dma_start3A = arith.constant 0 : i32
      %dma_start3A_146 = arith.constant 0 : i32
      %dma_start3A_147 = tpu.memref_slice %arg8[%run_scoped3A_94, %dma_start3A, %dma_start3A_146] : memref<2x128x128xf32, #tpu.memory_space<vmem>> -> memref<1x128x128xf32, #tpu.memory_space<vmem>>
      %dma_start3A_148 = tpu.memref_squeeze %dma_start3A_147 : memref<1x128x128xf32, #tpu.memory_space<vmem>> -> memref<128x128xf32, #tpu.memory_space<vmem>>
      %dma_start3A_149 = arith.constant 0 : i32
      %dma_start3A_150 = tpu.memref_slice %arg11[%add3A_93, %dma_start3A_149] : memref<10240x128xf32, #tpu.memory_space<vmem_shared>> -> memref<128x128xf32, #tpu.memory_space<vmem_shared>>
      %dma_start3A_151 = arith.constant 0 : i32
      %dma_start3A_152 = tpu.memref_slice %arg11[%add3A_93, %dma_start3A_151] : memref<10240x128xf32, #tpu.memory_space<vmem_shared>> -> memref<128x128xf32, #tpu.memory_space<vmem_shared>>
      %dma_start3A_153 = arith.constant 0 : i32
      %dma_start3A_154 = arith.constant 0 : i32
      %dma_start3A_155 = tpu.memref_slice %arg8[%run_scoped3A_94, %dma_start3A_153, %dma_start3A_154] : memref<2x128x128xf32, #tpu.memory_space<vmem>> -> memref<1x128x128xf32, #tpu.memory_space<vmem>>
      %dma_start3A_156 = tpu.memref_squeeze %dma_start3A_155 : memref<1x128x128xf32, #tpu.memory_space<vmem>> -> memref<128x128xf32, #tpu.memory_space<vmem>>
      tpu.enqueue_dma source(%dma_start3A_156 : memref<128x128xf32, #tpu.memory_space<vmem>>) target(%dma_start3A_152 : memref<128x128xf32, #tpu.memory_space<vmem_shared>>) target_semaphore(%run_scoped3A_145 : memref<!tpu.dma_semaphore, #tpu.memory_space<semaphore_mem>>)
      %dma_wait3A = arith.constant 0 : i32
      %dma_wait3A_157 = arith.constant 0 : i32
      %dma_wait3A_158 = tpu.memref_slice %arg8[%run_scoped3A_94, %dma_wait3A, %dma_wait3A_157] : memref<2x128x128xf32, #tpu.memory_space<vmem>> -> memref<1x128x128xf32, #tpu.memory_space<vmem>>
      %dma_wait3A_159 = tpu.memref_squeeze %dma_wait3A_158 : memref<1x128x128xf32, #tpu.memory_space<vmem>> -> memref<128x128xf32, #tpu.memory_space<vmem>>
      %dma_wait3A_160 = arith.constant 0 : i32
      %dma_wait3A_161 = tpu.memref_slice %arg11[%add3A_93, %dma_wait3A_160] : memref<10240x128xf32, #tpu.memory_space<vmem_shared>> -> memref<128x128xf32, #tpu.memory_space<vmem_shared>>
      %dma_wait3A_162 = arith.constant 0 : i32
      %dma_wait3A_163 = tpu.memref_slice %arg11[%add3A_93, %dma_wait3A_162] : memref<10240x128xf32, #tpu.memory_space<vmem_shared>> -> memref<128x128xf32, #tpu.memory_space<vmem_shared>>
      %dma_wait3A_164 = arith.constant 0 : i32
      %dma_wait3A_165 = arith.constant 0 : i32
      %dma_wait3A_166 = tpu.memref_slice %arg8[%run_scoped3A_94, %dma_wait3A_164, %dma_wait3A_165] : memref<2x128x128xf32, #tpu.memory_space<vmem>> -> memref<1x128x128xf32, #tpu.memory_space<vmem>>
      %dma_wait3A_167 = tpu.memref_squeeze %dma_wait3A_166 : memref<1x128x128xf32, #tpu.memory_space<vmem>> -> memref<128x128xf32, #tpu.memory_space<vmem>>
      tpu.wait_dma2 semaphore(%run_scoped3A_145 : memref<!tpu.dma_semaphore, #tpu.memory_space<semaphore_mem>>) src(%dma_wait3A_167 : memref<128x128xf32, #tpu.memory_space<vmem>>) dst(%dma_wait3A_163 : memref<128x128xf32, #tpu.memory_space<vmem_shared>>)
      tpu.yield
    }) : () -> ()
    %add3A_95 = arith.constant 128 : i32
    %add3A_96 = arith.addi %mul3A_87, %add3A_95 : i32
    "tpu.region"() ({
      %run_scoped3A_145 = tpu.sem_alloc : memref<!tpu.dma_semaphore, #tpu.memory_space<semaphore_mem>>
      %dma_start3A = tpu.memref_slice %arg12[%add3A_96] : memref<10240xf32, #tpu.memory_space<vmem_shared>> -> memref<128xf32, #tpu.memory_space<vmem_shared>>
      %dma_start3A_146 = tpu.memref_slice %arg12[%add3A_96] : memref<10240xf32, #tpu.memory_space<vmem_shared>> -> memref<128xf32, #tpu.memory_space<vmem_shared>>
      tpu.enqueue_dma source(%arg10 : memref<128xf32, #tpu.memory_space<vmem>>) target(%dma_start3A_146 : memref<128xf32, #tpu.memory_space<vmem_shared>>) target_semaphore(%run_scoped3A_145 : memref<!tpu.dma_semaphore, #tpu.memory_space<semaphore_mem>>)
      %dma_wait3A = tpu.memref_slice %arg12[%add3A_96] : memref<10240xf32, #tpu.memory_space<vmem_shared>> -> memref<128xf32, #tpu.memory_space<vmem_shared>>
      %dma_wait3A_147 = tpu.memref_slice %arg12[%add3A_96] : memref<10240xf32, #tpu.memory_space<vmem_shared>> -> memref<128xf32, #tpu.memory_space<vmem_shared>>
      tpu.wait_dma2 semaphore(%run_scoped3A_145 : memref<!tpu.dma_semaphore, #tpu.memory_space<semaphore_mem>>) src(%arg10 : memref<128xf32, #tpu.memory_space<vmem>>) dst(%dma_wait3A_147 : memref<128xf32, #tpu.memory_space<vmem_shared>>)
      tpu.yield
    }) : () -> ()
    %add3A_97 = arith.constant 256 : i32
    %add3A_98 = arith.addi %mul3A_87, %add3A_97 : i32
    %run_scoped3A_99 = arith.constant 0 : i32
    "tpu.region"() ({
      %run_scoped3A_145 = tpu.sem_alloc : memref<!tpu.dma_semaphore, #tpu.memory_space<semaphore_mem>>
      %dma_start3A = arith.constant 0 : i32
      %dma_start3A_146 = arith.constant 0 : i32
      %dma_start3A_147 = tpu.memref_slice %arg8[%run_scoped3A_99, %dma_start3A, %dma_start3A_146] : memref<2x128x128xf32, #tpu.memory_space<vmem>> -> memref<1x128x128xf32, #tpu.memory_space<vmem>>
      %dma_start3A_148 = tpu.memref_squeeze %dma_start3A_147 : memref<1x128x128xf32, #tpu.memory_space<vmem>> -> memref<128x128xf32, #tpu.memory_space<vmem>>
      %dma_start3A_149 = arith.constant 0 : i32
      %dma_start3A_150 = tpu.memref_slice %arg11[%add3A_98, %dma_start3A_149] : memref<10240x128xf32, #tpu.memory_space<vmem_shared>> -> memref<128x128xf32, #tpu.memory_space<vmem_shared>>
      %dma_start3A_151 = arith.constant 0 : i32
      %dma_start3A_152 = tpu.memref_slice %arg11[%add3A_98, %dma_start3A_151] : memref<10240x128xf32, #tpu.memory_space<vmem_shared>> -> memref<128x128xf32, #tpu.memory_space<vmem_shared>>
      %dma_start3A_153 = arith.constant 0 : i32
      %dma_start3A_154 = arith.constant 0 : i32
      %dma_start3A_155 = tpu.memref_slice %arg8[%run_scoped3A_99, %dma_start3A_153, %dma_start3A_154] : memref<2x128x128xf32, #tpu.memory_space<vmem>> -> memref<1x128x128xf32, #tpu.memory_space<vmem>>
      %dma_start3A_156 = tpu.memref_squeeze %dma_start3A_155 : memref<1x128x128xf32, #tpu.memory_space<vmem>> -> memref<128x128xf32, #tpu.memory_space<vmem>>
      tpu.enqueue_dma source(%dma_start3A_156 : memref<128x128xf32, #tpu.memory_space<vmem>>) target(%dma_start3A_152 : memref<128x128xf32, #tpu.memory_space<vmem_shared>>) target_semaphore(%run_scoped3A_145 : memref<!tpu.dma_semaphore, #tpu.memory_space<semaphore_mem>>)
      %dma_wait3A = arith.constant 0 : i32
      %dma_wait3A_157 = arith.constant 0 : i32
      %dma_wait3A_158 = tpu.memref_slice %arg8[%run_scoped3A_99, %dma_wait3A, %dma_wait3A_157] : memref<2x128x128xf32, #tpu.memory_space<vmem>> -> memref<1x128x128xf32, #tpu.memory_space<vmem>>
      %dma_wait3A_159 = tpu.memref_squeeze %dma_wait3A_158 : memref<1x128x128xf32, #tpu.memory_space<vmem>> -> memref<128x128xf32, #tpu.memory_space<vmem>>
      %dma_wait3A_160 = arith.constant 0 : i32
      %dma_wait3A_161 = tpu.memref_slice %arg11[%add3A_98, %dma_wait3A_160] : memref<10240x128xf32, #tpu.memory_space<vmem_shared>> -> memref<128x128xf32, #tpu.memory_space<vmem_shared>>
      %dma_wait3A_162 = arith.constant 0 : i32
      %dma_wait3A_163 = tpu.memref_slice %arg11[%add3A_98, %dma_wait3A_162] : memref<10240x128xf32, #tpu.memory_space<vmem_shared>> -> memref<128x128xf32, #tpu.memory_space<vmem_shared>>
      %dma_wait3A_164 = arith.constant 0 : i32
      %dma_wait3A_165 = arith.constant 0 : i32
      %dma_wait3A_166 = tpu.memref_slice %arg8[%run_scoped3A_99, %dma_wait3A_164, %dma_wait3A_165] : memref<2x128x128xf32, #tpu.memory_space<vmem>> -> memref<1x128x128xf32, #tpu.memory_space<vmem>>
      %dma_wait3A_167 = tpu.memref_squeeze %dma_wait3A_166 : memref<1x128x128xf32, #tpu.memory_space<vmem>> -> memref<128x128xf32, #tpu.memory_space<vmem>>
      tpu.wait_dma2 semaphore(%run_scoped3A_145 : memref<!tpu.dma_semaphore, #tpu.memory_space<semaphore_mem>>) src(%dma_wait3A_167 : memref<128x128xf32, #tpu.memory_space<vmem>>) dst(%dma_wait3A_163 : memref<128x128xf32, #tpu.memory_space<vmem_shared>>)
      tpu.yield
    }) : () -> ()
    %add3A_100 = arith.constant 256 : i32
    %add3A_101 = arith.addi %mul3A_87, %add3A_100 : i32
    "tpu.region"() ({
      %run_scoped3A_145 = tpu.sem_alloc : memref<!tpu.dma_semaphore, #tpu.memory_space<semaphore_mem>>
      %dma_start3A = tpu.memref_slice %arg12[%add3A_101] : memref<10240xf32, #tpu.memory_space<vmem_shared>> -> memref<128xf32, #tpu.memory_space<vmem_shared>>
      %dma_start3A_146 = tpu.memref_slice %arg12[%add3A_101] : memref<10240xf32, #tpu.memory_space<vmem_shared>> -> memref<128xf32, #tpu.memory_space<vmem_shared>>
      tpu.enqueue_dma source(%arg10 : memref<128xf32, #tpu.memory_space<vmem>>) target(%dma_start3A_146 : memref<128xf32, #tpu.memory_space<vmem_shared>>) target_semaphore(%run_scoped3A_145 : memref<!tpu.dma_semaphore, #tpu.memory_space<semaphore_mem>>)
      %dma_wait3A = tpu.memref_slice %arg12[%add3A_101] : memref<10240xf32, #tpu.memory_space<vmem_shared>> -> memref<128xf32, #tpu.memory_space<vmem_shared>>
      %dma_wait3A_147 = tpu.memref_slice %arg12[%add3A_101] : memref<10240xf32, #tpu.memory_space<vmem_shared>> -> memref<128xf32, #tpu.memory_space<vmem_shared>>
      tpu.wait_dma2 semaphore(%run_scoped3A_145 : memref<!tpu.dma_semaphore, #tpu.memory_space<semaphore_mem>>) src(%arg10 : memref<128xf32, #tpu.memory_space<vmem>>) dst(%dma_wait3A_147 : memref<128xf32, #tpu.memory_space<vmem_shared>>)
      tpu.yield
    }) : () -> ()
    %add3A_102 = arith.constant 384 : i32
    %add3A_103 = arith.addi %mul3A_87, %add3A_102 : i32
    %run_scoped3A_104 = arith.constant 0 : i32
    "tpu.region"() ({
      %run_scoped3A_145 = tpu.sem_alloc : memref<!tpu.dma_semaphore, #tpu.memory_space<semaphore_mem>>
      %dma_start3A = arith.constant 0 : i32
      %dma_start3A_146 = arith.constant 0 : i32
      %dma_start3A_147 = tpu.memref_slice %arg8[%run_scoped3A_104, %dma_start3A, %dma_start3A_146] : memref<2x128x128xf32, #tpu.memory_space<vmem>> -> memref<1x128x128xf32, #tpu.memory_space<vmem>>
      %dma_start3A_148 = tpu.memref_squeeze %dma_start3A_147 : memref<1x128x128xf32, #tpu.memory_space<vmem>> -> memref<128x128xf32, #tpu.memory_space<vmem>>
      %dma_start3A_149 = arith.constant 0 : i32
      %dma_start3A_150 = tpu.memref_slice %arg11[%add3A_103, %dma_start3A_149] : memref<10240x128xf32, #tpu.memory_space<vmem_shared>> -> memref<128x128xf32, #tpu.memory_space<vmem_shared>>
      %dma_start3A_151 = arith.constant 0 : i32
      %dma_start3A_152 = tpu.memref_slice %arg11[%add3A_103, %dma_start3A_151] : memref<10240x128xf32, #tpu.memory_space<vmem_shared>> -> memref<128x128xf32, #tpu.memory_space<vmem_shared>>
      %dma_start3A_153 = arith.constant 0 : i32
      %dma_start3A_154 = arith.constant 0 : i32
      %dma_start3A_155 = tpu.memref_slice %arg8[%run_scoped3A_104, %dma_start3A_153, %dma_start3A_154] : memref<2x128x128xf32, #tpu.memory_space<vmem>> -> memref<1x128x128xf32, #tpu.memory_space<vmem>>
      %dma_start3A_156 = tpu.memref_squeeze %dma_start3A_155 : memref<1x128x128xf32, #tpu.memory_space<vmem>> -> memref<128x128xf32, #tpu.memory_space<vmem>>
      tpu.enqueue_dma source(%dma_start3A_156 : memref<128x128xf32, #tpu.memory_space<vmem>>) target(%dma_start3A_152 : memref<128x128xf32, #tpu.memory_space<vmem_shared>>) target_semaphore(%run_scoped3A_145 : memref<!tpu.dma_semaphore, #tpu.memory_space<semaphore_mem>>)
      %dma_wait3A = arith.constant 0 : i32
      %dma_wait3A_157 = arith.constant 0 : i32
      %dma_wait3A_158 = tpu.memref_slice %arg8[%run_scoped3A_104, %dma_wait3A, %dma_wait3A_157] : memref<2x128x128xf32, #tpu.memory_space<vmem>> -> memref<1x128x128xf32, #tpu.memory_space<vmem>>
      %dma_wait3A_159 = tpu.memref_squeeze %dma_wait3A_158 : memref<1x128x128xf32, #tpu.memory_space<vmem>> -> memref<128x128xf32, #tpu.memory_space<vmem>>
      %dma_wait3A_160 = arith.constant 0 : i32
      %dma_wait3A_161 = tpu.memref_slice %arg11[%add3A_103, %dma_wait3A_160] : memref<10240x128xf32, #tpu.memory_space<vmem_shared>> -> memref<128x128xf32, #tpu.memory_space<vmem_shared>>
      %dma_wait3A_162 = arith.constant 0 : i32
      %dma_wait3A_163 = tpu.memref_slice %arg11[%add3A_103, %dma_wait3A_162] : memref<10240x128xf32, #tpu.memory_space<vmem_shared>> -> memref<128x128xf32, #tpu.memory_space<vmem_shared>>
      %dma_wait3A_164 = arith.constant 0 : i32
      %dma_wait3A_165 = arith.constant 0 : i32
      %dma_wait3A_166 = tpu.memref_slice %arg8[%run_scoped3A_104, %dma_wait3A_164, %dma_wait3A_165] : memref<2x128x128xf32, #tpu.memory_space<vmem>> -> memref<1x128x128xf32, #tpu.memory_space<vmem>>
      %dma_wait3A_167 = tpu.memref_squeeze %dma_wait3A_166 : memref<1x128x128xf32, #tpu.memory_space<vmem>> -> memref<128x128xf32, #tpu.memory_space<vmem>>
      tpu.wait_dma2 semaphore(%run_scoped3A_145 : memref<!tpu.dma_semaphore, #tpu.memory_space<semaphore_mem>>) src(%dma_wait3A_167 : memref<128x128xf32, #tpu.memory_space<vmem>>) dst(%dma_wait3A_163 : memref<128x128xf32, #tpu.memory_space<vmem_shared>>)
      tpu.yield
    }) : () -> ()
    %add3A_105 = arith.constant 384 : i32
    %add3A_106 = arith.addi %mul3A_87, %add3A_105 : i32
    "tpu.region"() ({
      %run_scoped3A_145 = tpu.sem_alloc : memref<!tpu.dma_semaphore, #tpu.memory_space<semaphore_mem>>
      %dma_start3A = tpu.memref_slice %arg12[%add3A_106] : memref<10240xf32, #tpu.memory_space<vmem_shared>> -> memref<128xf32, #tpu.memory_space<vmem_shared>>
      %dma_start3A_146 = tpu.memref_slice %arg12[%add3A_106] : memref<10240xf32, #tpu.memory_space<vmem_shared>> -> memref<128xf32, #tpu.memory_space<vmem_shared>>
      tpu.enqueue_dma source(%arg10 : memref<128xf32, #tpu.memory_space<vmem>>) target(%dma_start3A_146 : memref<128xf32, #tpu.memory_space<vmem_shared>>) target_semaphore(%run_scoped3A_145 : memref<!tpu.dma_semaphore, #tpu.memory_space<semaphore_mem>>)
      %dma_wait3A = tpu.memref_slice %arg12[%add3A_106] : memref<10240xf32, #tpu.memory_space<vmem_shared>> -> memref<128xf32, #tpu.memory_space<vmem_shared>>
      %dma_wait3A_147 = tpu.memref_slice %arg12[%add3A_106] : memref<10240xf32, #tpu.memory_space<vmem_shared>> -> memref<128xf32, #tpu.memory_space<vmem_shared>>
      tpu.wait_dma2 semaphore(%run_scoped3A_145 : memref<!tpu.dma_semaphore, #tpu.memory_space<semaphore_mem>>) src(%arg10 : memref<128xf32, #tpu.memory_space<vmem>>) dst(%dma_wait3A_147 : memref<128xf32, #tpu.memory_space<vmem_shared>>)
      tpu.yield
    }) : () -> ()
    %add3A_107 = arith.constant 512 : i32
    %add3A_108 = arith.addi %mul3A_87, %add3A_107 : i32
    %run_scoped3A_109 = arith.constant 0 : i32
    "tpu.region"() ({
      %run_scoped3A_145 = tpu.sem_alloc : memref<!tpu.dma_semaphore, #tpu.memory_space<semaphore_mem>>
      %dma_start3A = arith.constant 0 : i32
      %dma_start3A_146 = arith.constant 0 : i32
      %dma_start3A_147 = tpu.memref_slice %arg8[%run_scoped3A_109, %dma_start3A, %dma_start3A_146] : memref<2x128x128xf32, #tpu.memory_space<vmem>> -> memref<1x128x128xf32, #tpu.memory_space<vmem>>
      %dma_start3A_148 = tpu.memref_squeeze %dma_start3A_147 : memref<1x128x128xf32, #tpu.memory_space<vmem>> -> memref<128x128xf32, #tpu.memory_space<vmem>>
      %dma_start3A_149 = arith.constant 0 : i32
      %dma_start3A_150 = tpu.memref_slice %arg11[%add3A_108, %dma_start3A_149] : memref<10240x128xf32, #tpu.memory_space<vmem_shared>> -> memref<128x128xf32, #tpu.memory_space<vmem_shared>>
      %dma_start3A_151 = arith.constant 0 : i32
      %dma_start3A_152 = tpu.memref_slice %arg11[%add3A_108, %dma_start3A_151] : memref<10240x128xf32, #tpu.memory_space<vmem_shared>> -> memref<128x128xf32, #tpu.memory_space<vmem_shared>>
      %dma_start3A_153 = arith.constant 0 : i32
      %dma_start3A_154 = arith.constant 0 : i32
      %dma_start3A_155 = tpu.memref_slice %arg8[%run_scoped3A_109, %dma_start3A_153, %dma_start3A_154] : memref<2x128x128xf32, #tpu.memory_space<vmem>> -> memref<1x128x128xf32, #tpu.memory_space<vmem>>
      %dma_start3A_156 = tpu.memref_squeeze %dma_start3A_155 : memref<1x128x128xf32, #tpu.memory_space<vmem>> -> memref<128x128xf32, #tpu.memory_space<vmem>>
      tpu.enqueue_dma source(%dma_start3A_156 : memref<128x128xf32, #tpu.memory_space<vmem>>) target(%dma_start3A_152 : memref<128x128xf32, #tpu.memory_space<vmem_shared>>) target_semaphore(%run_scoped3A_145 : memref<!tpu.dma_semaphore, #tpu.memory_space<semaphore_mem>>)
      %dma_wait3A = arith.constant 0 : i32
      %dma_wait3A_157 = arith.constant 0 : i32
      %dma_wait3A_158 = tpu.memref_slice %arg8[%run_scoped3A_109, %dma_wait3A, %dma_wait3A_157] : memref<2x128x128xf32, #tpu.memory_space<vmem>> -> memref<1x128x128xf32, #tpu.memory_space<vmem>>
      %dma_wait3A_159 = tpu.memref_squeeze %dma_wait3A_158 : memref<1x128x128xf32, #tpu.memory_space<vmem>> -> memref<128x128xf32, #tpu.memory_space<vmem>>
      %dma_wait3A_160 = arith.constant 0 : i32
      %dma_wait3A_161 = tpu.memref_slice %arg11[%add3A_108, %dma_wait3A_160] : memref<10240x128xf32, #tpu.memory_space<vmem_shared>> -> memref<128x128xf32, #tpu.memory_space<vmem_shared>>
      %dma_wait3A_162 = arith.constant 0 : i32
      %dma_wait3A_163 = tpu.memref_slice %arg11[%add3A_108, %dma_wait3A_162] : memref<10240x128xf32, #tpu.memory_space<vmem_shared>> -> memref<128x128xf32, #tpu.memory_space<vmem_shared>>
      %dma_wait3A_164 = arith.constant 0 : i32
      %dma_wait3A_165 = arith.constant 0 : i32
      %dma_wait3A_166 = tpu.memref_slice %arg8[%run_scoped3A_109, %dma_wait3A_164, %dma_wait3A_165] : memref<2x128x128xf32, #tpu.memory_space<vmem>> -> memref<1x128x128xf32, #tpu.memory_space<vmem>>
      %dma_wait3A_167 = tpu.memref_squeeze %dma_wait3A_166 : memref<1x128x128xf32, #tpu.memory_space<vmem>> -> memref<128x128xf32, #tpu.memory_space<vmem>>
      tpu.wait_dma2 semaphore(%run_scoped3A_145 : memref<!tpu.dma_semaphore, #tpu.memory_space<semaphore_mem>>) src(%dma_wait3A_167 : memref<128x128xf32, #tpu.memory_space<vmem>>) dst(%dma_wait3A_163 : memref<128x128xf32, #tpu.memory_space<vmem_shared>>)
      tpu.yield
    }) : () -> ()
    %add3A_110 = arith.constant 512 : i32
    %add3A_111 = arith.addi %mul3A_87, %add3A_110 : i32
    "tpu.region"() ({
      %run_scoped3A_145 = tpu.sem_alloc : memref<!tpu.dma_semaphore, #tpu.memory_space<semaphore_mem>>
      %dma_start3A = tpu.memref_slice %arg12[%add3A_111] : memref<10240xf32, #tpu.memory_space<vmem_shared>> -> memref<128xf32, #tpu.memory_space<vmem_shared>>
      %dma_start3A_146 = tpu.memref_slice %arg12[%add3A_111] : memref<10240xf32, #tpu.memory_space<vmem_shared>> -> memref<128xf32, #tpu.memory_space<vmem_shared>>
      tpu.enqueue_dma source(%arg10 : memref<128xf32, #tpu.memory_space<vmem>>) target(%dma_start3A_146 : memref<128xf32, #tpu.memory_space<vmem_shared>>) target_semaphore(%run_scoped3A_145 : memref<!tpu.dma_semaphore, #tpu.memory_space<semaphore_mem>>)
      %dma_wait3A = tpu.memref_slice %arg12[%add3A_111] : memref<10240xf32, #tpu.memory_space<vmem_shared>> -> memref<128xf32, #tpu.memory_space<vmem_shared>>
      %dma_wait3A_147 = tpu.memref_slice %arg12[%add3A_111] : memref<10240xf32, #tpu.memory_space<vmem_shared>> -> memref<128xf32, #tpu.memory_space<vmem_shared>>
      tpu.wait_dma2 semaphore(%run_scoped3A_145 : memref<!tpu.dma_semaphore, #tpu.memory_space<semaphore_mem>>) src(%arg10 : memref<128xf32, #tpu.memory_space<vmem>>) dst(%dma_wait3A_147 : memref<128xf32, #tpu.memory_space<vmem_shared>>)
      tpu.yield
    }) : () -> ()
    %barrier3A = arith.constant 0 : index
    tpu.barrier barrier_id(%barrier3A)
    %mul3A_112 = arith.constant 10240 : i32
    %mul3A_113 = arith.muli %add3A, %mul3A_112 : i32
    %mul3A_114 = arith.constant 10240 : i32
    %mul3A_115 = arith.muli %add3A, %mul3A_114 : i32
    %add3A_116 = arith.constant 327680 : i32
    %add3A_117 = arith.addi %add3A_116, %mul3A_115 : i32
    %add3A_118 = arith.constant 0 : i32
    %add3A_119 = arith.addi %mul3A_113, %add3A_118 : i32
    %run_scoped3A_120 = arith.constant 0 : i32
    %run_scoped3A_121 = arith.constant 0 : i32
    "tpu.region"() ({
      %run_scoped3A_145 = tpu.sem_alloc : memref<!tpu.dma_semaphore, #tpu.memory_space<semaphore_mem>>
      %dma_start3A = arith.constant 0 : i32
      %dma_start3A_146 = tpu.memref_slice %arg6[%run_scoped3A_120, %run_scoped3A_121, %dma_start3A] : memref<2x2x128xi32, #tpu.memory_space<vmem>> -> memref<1x1x128xi32, #tpu.memory_space<vmem>>
      %dma_start3A_147 = tpu.memref_squeeze %dma_start3A_146 : memref<1x1x128xi32, #tpu.memory_space<vmem>> -> memref<128xi32, #tpu.memory_space<vmem>>
      %dma_start3A_148 = tpu.memref_slice %arg3[%add3A_119] : memref<655360xi32, #tpu.memory_space<hbm>> -> memref<128xi32, #tpu.memory_space<hbm>>
      %dma_start3A_149 = arith.constant 0 : i32
      %dma_start3A_150 = tpu.memref_slice %arg6[%run_scoped3A_120, %run_scoped3A_121, %dma_start3A_149] : memref<2x2x128xi32, #tpu.memory_space<vmem>> -> memref<1x1x128xi32, #tpu.memory_space<vmem>>
      %dma_start3A_151 = tpu.memref_squeeze %dma_start3A_150 : memref<1x1x128xi32, #tpu.memory_space<vmem>> -> memref<128xi32, #tpu.memory_space<vmem>>
      %dma_start3A_152 = tpu.memref_slice %arg3[%add3A_119] : memref<655360xi32, #tpu.memory_space<hbm>> -> memref<128xi32, #tpu.memory_space<hbm>>
      tpu.enqueue_dma source(%dma_start3A_152 : memref<128xi32, #tpu.memory_space<hbm>>) target(%dma_start3A_151 : memref<128xi32, #tpu.memory_space<vmem>>) target_semaphore(%run_scoped3A_145 : memref<!tpu.dma_semaphore, #tpu.memory_space<semaphore_mem>>)
      %dma_wait3A = arith.constant 0 : i32
      %dma_wait3A_153 = tpu.memref_slice %arg6[%run_scoped3A_120, %run_scoped3A_121, %dma_wait3A] : memref<2x2x128xi32, #tpu.memory_space<vmem>> -> memref<1x1x128xi32, #tpu.memory_space<vmem>>
      %dma_wait3A_154 = tpu.memref_squeeze %dma_wait3A_153 : memref<1x1x128xi32, #tpu.memory_space<vmem>> -> memref<128xi32, #tpu.memory_space<vmem>>
      %dma_wait3A_155 = tpu.memref_slice %arg3[%add3A_119] : memref<655360xi32, #tpu.memory_space<hbm>> -> memref<128xi32, #tpu.memory_space<hbm>>
      %dma_wait3A_156 = arith.constant 0 : i32
      %dma_wait3A_157 = tpu.memref_slice %arg6[%run_scoped3A_120, %run_scoped3A_121, %dma_wait3A_156] : memref<2x2x128xi32, #tpu.memory_space<vmem>> -> memref<1x1x128xi32, #tpu.memory_space<vmem>>
      %dma_wait3A_158 = tpu.memref_squeeze %dma_wait3A_157 : memref<1x1x128xi32, #tpu.memory_space<vmem>> -> memref<128xi32, #tpu.memory_space<vmem>>
      %dma_wait3A_159 = tpu.memref_slice %arg3[%add3A_119] : memref<655360xi32, #tpu.memory_space<hbm>> -> memref<128xi32, #tpu.memory_space<hbm>>
      tpu.wait_dma2 semaphore(%run_scoped3A_145 : memref<!tpu.dma_semaphore, #tpu.memory_space<semaphore_mem>>) src(%dma_wait3A_159 : memref<128xi32, #tpu.memory_space<hbm>>) dst(%dma_wait3A_158 : memref<128xi32, #tpu.memory_space<vmem>>)
      tpu.yield
    }) : () -> ()
    %add3A_122 = arith.constant 0 : i32
    %add3A_123 = arith.addi %add3A_117, %add3A_122 : i32
    %run_scoped3A_124 = arith.constant 0 : i32
    %run_scoped3A_125 = arith.constant 0 : i32
    "tpu.region"() ({
      %run_scoped3A_145 = tpu.sem_alloc : memref<!tpu.dma_semaphore, #tpu.memory_space<semaphore_mem>>
      %dma_start3A = arith.constant 0 : i32
      %dma_start3A_146 = tpu.memref_slice %arg7[%run_scoped3A_124, %run_scoped3A_125, %dma_start3A] : memref<2x2x128xi32, #tpu.memory_space<vmem>> -> memref<1x1x128xi32, #tpu.memory_space<vmem>>
      %dma_start3A_147 = tpu.memref_squeeze %dma_start3A_146 : memref<1x1x128xi32, #tpu.memory_space<vmem>> -> memref<128xi32, #tpu.memory_space<vmem>>
      %dma_start3A_148 = tpu.memref_slice %arg3[%add3A_123] : memref<655360xi32, #tpu.memory_space<hbm>> -> memref<128xi32, #tpu.memory_space<hbm>>
      %dma_start3A_149 = arith.constant 0 : i32
      %dma_start3A_150 = tpu.memref_slice %arg7[%run_scoped3A_124, %run_scoped3A_125, %dma_start3A_149] : memref<2x2x128xi32, #tpu.memory_space<vmem>> -> memref<1x1x128xi32, #tpu.memory_space<vmem>>
      %dma_start3A_151 = tpu.memref_squeeze %dma_start3A_150 : memref<1x1x128xi32, #tpu.memory_space<vmem>> -> memref<128xi32, #tpu.memory_space<vmem>>
      %dma_start3A_152 = tpu.memref_slice %arg3[%add3A_123] : memref<655360xi32, #tpu.memory_space<hbm>> -> memref<128xi32, #tpu.memory_space<hbm>>
      tpu.enqueue_dma source(%dma_start3A_152 : memref<128xi32, #tpu.memory_space<hbm>>) target(%dma_start3A_151 : memref<128xi32, #tpu.memory_space<vmem>>) target_semaphore(%run_scoped3A_145 : memref<!tpu.dma_semaphore, #tpu.memory_space<semaphore_mem>>)
      %dma_wait3A = arith.constant 0 : i32
      %dma_wait3A_153 = tpu.memref_slice %arg7[%run_scoped3A_124, %run_scoped3A_125, %dma_wait3A] : memref<2x2x128xi32, #tpu.memory_space<vmem>> -> memref<1x1x128xi32, #tpu.memory_space<vmem>>
      %dma_wait3A_154 = tpu.memref_squeeze %dma_wait3A_153 : memref<1x1x128xi32, #tpu.memory_space<vmem>> -> memref<128xi32, #tpu.memory_space<vmem>>
      %dma_wait3A_155 = tpu.memref_slice %arg3[%add3A_123] : memref<655360xi32, #tpu.memory_space<hbm>> -> memref<128xi32, #tpu.memory_space<hbm>>
      %dma_wait3A_156 = arith.constant 0 : i32
      %dma_wait3A_157 = tpu.memref_slice %arg7[%run_scoped3A_124, %run_scoped3A_125, %dma_wait3A_156] : memref<2x2x128xi32, #tpu.memory_space<vmem>> -> memref<1x1x128xi32, #tpu.memory_space<vmem>>
      %dma_wait3A_158 = tpu.memref_squeeze %dma_wait3A_157 : memref<1x1x128xi32, #tpu.memory_space<vmem>> -> memref<128xi32, #tpu.memory_space<vmem>>
      %dma_wait3A_159 = tpu.memref_slice %arg3[%add3A_123] : memref<655360xi32, #tpu.memory_space<hbm>> -> memref<128xi32, #tpu.memory_space<hbm>>
      tpu.wait_dma2 semaphore(%run_scoped3A_145 : memref<!tpu.dma_semaphore, #tpu.memory_space<semaphore_mem>>) src(%dma_wait3A_159 : memref<128xi32, #tpu.memory_space<hbm>>) dst(%dma_wait3A_158 : memref<128xi32, #tpu.memory_space<vmem>>)
      tpu.yield
    }) : () -> ()
    %add3A_126 = arith.constant 128 : i32
    %add3A_127 = arith.addi %mul3A_113, %add3A_126 : i32
    %run_scoped3A_128 = arith.constant 0 : i32
    %run_scoped3A_129 = arith.constant 1 : i32
    "tpu.region"() ({
      %run_scoped3A_145 = tpu.sem_alloc : memref<!tpu.dma_semaphore, #tpu.memory_space<semaphore_mem>>
      %dma_start3A = arith.constant 0 : i32
      %dma_start3A_146 = tpu.memref_slice %arg6[%run_scoped3A_128, %run_scoped3A_129, %dma_start3A] : memref<2x2x128xi32, #tpu.memory_space<vmem>> -> memref<1x1x128xi32, #tpu.memory_space<vmem>>
      %dma_start3A_147 = tpu.memref_squeeze %dma_start3A_146 : memref<1x1x128xi32, #tpu.memory_space<vmem>> -> memref<128xi32, #tpu.memory_space<vmem>>
      %dma_start3A_148 = tpu.memref_slice %arg3[%add3A_127] : memref<655360xi32, #tpu.memory_space<hbm>> -> memref<128xi32, #tpu.memory_space<hbm>>
      %dma_start3A_149 = arith.constant 0 : i32
      %dma_start3A_150 = tpu.memref_slice %arg6[%run_scoped3A_128, %run_scoped3A_129, %dma_start3A_149] : memref<2x2x128xi32, #tpu.memory_space<vmem>> -> memref<1x1x128xi32, #tpu.memory_space<vmem>>
      %dma_start3A_151 = tpu.memref_squeeze %dma_start3A_150 : memref<1x1x128xi32, #tpu.memory_space<vmem>> -> memref<128xi32, #tpu.memory_space<vmem>>
      %dma_start3A_152 = tpu.memref_slice %arg3[%add3A_127] : memref<655360xi32, #tpu.memory_space<hbm>> -> memref<128xi32, #tpu.memory_space<hbm>>
      tpu.enqueue_dma source(%dma_start3A_152 : memref<128xi32, #tpu.memory_space<hbm>>) target(%dma_start3A_151 : memref<128xi32, #tpu.memory_space<vmem>>) target_semaphore(%run_scoped3A_145 : memref<!tpu.dma_semaphore, #tpu.memory_space<semaphore_mem>>)
      %dma_wait3A = arith.constant 0 : i32
      %dma_wait3A_153 = tpu.memref_slice %arg6[%run_scoped3A_128, %run_scoped3A_129, %dma_wait3A] : memref<2x2x128xi32, #tpu.memory_space<vmem>> -> memref<1x1x128xi32, #tpu.memory_space<vmem>>
      %dma_wait3A_154 = tpu.memref_squeeze %dma_wait3A_153 : memref<1x1x128xi32, #tpu.memory_space<vmem>> -> memref<128xi32, #tpu.memory_space<vmem>>
      %dma_wait3A_155 = tpu.memref_slice %arg3[%add3A_127] : memref<655360xi32, #tpu.memory_space<hbm>> -> memref<128xi32, #tpu.memory_space<hbm>>
      %dma_wait3A_156 = arith.constant 0 : i32
      %dma_wait3A_157 = tpu.memref_slice %arg6[%run_scoped3A_128, %run_scoped3A_129, %dma_wait3A_156] : memref<2x2x128xi32, #tpu.memory_space<vmem>> -> memref<1x1x128xi32, #tpu.memory_space<vmem>>
      %dma_wait3A_158 = tpu.memref_squeeze %dma_wait3A_157 : memref<1x1x128xi32, #tpu.memory_space<vmem>> -> memref<128xi32, #tpu.memory_space<vmem>>
      %dma_wait3A_159 = tpu.memref_slice %arg3[%add3A_127] : memref<655360xi32, #tpu.memory_space<hbm>> -> memref<128xi32, #tpu.memory_space<hbm>>
      tpu.wait_dma2 semaphore(%run_scoped3A_145 : memref<!tpu.dma_semaphore, #tpu.memory_space<semaphore_mem>>) src(%dma_wait3A_159 : memref<128xi32, #tpu.memory_space<hbm>>) dst(%dma_wait3A_158 : memref<128xi32, #tpu.memory_space<vmem>>)
      tpu.yield
    }) : () -> ()
    %add3A_130 = arith.constant 128 : i32
    %add3A_131 = arith.addi %add3A_117, %add3A_130 : i32
    %run_scoped3A_132 = arith.constant 0 : i32
    %run_scoped3A_133 = arith.constant 1 : i32
    "tpu.region"() ({
      %run_scoped3A_145 = tpu.sem_alloc : memref<!tpu.dma_semaphore, #tpu.memory_space<semaphore_mem>>
      %dma_start3A = arith.constant 0 : i32
      %dma_start3A_146 = tpu.memref_slice %arg7[%run_scoped3A_132, %run_scoped3A_133, %dma_start3A] : memref<2x2x128xi32, #tpu.memory_space<vmem>> -> memref<1x1x128xi32, #tpu.memory_space<vmem>>
      %dma_start3A_147 = tpu.memref_squeeze %dma_start3A_146 : memref<1x1x128xi32, #tpu.memory_space<vmem>> -> memref<128xi32, #tpu.memory_space<vmem>>
      %dma_start3A_148 = tpu.memref_slice %arg3[%add3A_131] : memref<655360xi32, #tpu.memory_space<hbm>> -> memref<128xi32, #tpu.memory_space<hbm>>
      %dma_start3A_149 = arith.constant 0 : i32
      %dma_start3A_150 = tpu.memref_slice %arg7[%run_scoped3A_132, %run_scoped3A_133, %dma_start3A_149] : memref<2x2x128xi32, #tpu.memory_space<vmem>> -> memref<1x1x128xi32, #tpu.memory_space<vmem>>
      %dma_start3A_151 = tpu.memref_squeeze %dma_start3A_150 : memref<1x1x128xi32, #tpu.memory_space<vmem>> -> memref<128xi32, #tpu.memory_space<vmem>>
      %dma_start3A_152 = tpu.memref_slice %arg3[%add3A_131] : memref<655360xi32, #tpu.memory_space<hbm>> -> memref<128xi32, #tpu.memory_space<hbm>>
      tpu.enqueue_dma source(%dma_start3A_152 : memref<128xi32, #tpu.memory_space<hbm>>) target(%dma_start3A_151 : memref<128xi32, #tpu.memory_space<vmem>>) target_semaphore(%run_scoped3A_145 : memref<!tpu.dma_semaphore, #tpu.memory_space<semaphore_mem>>)
      %dma_wait3A = arith.constant 0 : i32
      %dma_wait3A_153 = tpu.memref_slice %arg7[%run_scoped3A_132, %run_scoped3A_133, %dma_wait3A] : memref<2x2x128xi32, #tpu.memory_space<vmem>> -> memref<1x1x128xi32, #tpu.memory_space<vmem>>
      %dma_wait3A_154 = tpu.memref_squeeze %dma_wait3A_153 : memref<1x1x128xi32, #tpu.memory_space<vmem>> -> memref<128xi32, #tpu.memory_space<vmem>>
      %dma_wait3A_155 = tpu.memref_slice %arg3[%add3A_131] : memref<655360xi32, #tpu.memory_space<hbm>> -> memref<128xi32, #tpu.memory_space<hbm>>
      %dma_wait3A_156 = arith.constant 0 : i32
      %dma_wait3A_157 = tpu.memref_slice %arg7[%run_scoped3A_132, %run_scoped3A_133, %dma_wait3A_156] : memref<2x2x128xi32, #tpu.memory_space<vmem>> -> memref<1x1x128xi32, #tpu.memory_space<vmem>>
      %dma_wait3A_158 = tpu.memref_squeeze %dma_wait3A_157 : memref<1x1x128xi32, #tpu.memory_space<vmem>> -> memref<128xi32, #tpu.memory_space<vmem>>
      %dma_wait3A_159 = tpu.memref_slice %arg3[%add3A_131] : memref<655360xi32, #tpu.memory_space<hbm>> -> memref<128xi32, #tpu.memory_space<hbm>>
      tpu.wait_dma2 semaphore(%run_scoped3A_145 : memref<!tpu.dma_semaphore, #tpu.memory_space<semaphore_mem>>) src(%dma_wait3A_159 : memref<128xi32, #tpu.memory_space<hbm>>) dst(%dma_wait3A_158 : memref<128xi32, #tpu.memory_space<vmem>>)
      tpu.yield
    }) : () -> ()
    %scan3A_134 = arith.constant 0 : i32
    %scan3A_135 = arith.constant 0 : i32
    %scan3A_136 = arith.constant 40 : i32
    %scan3A_137 = arith.addi %scan3A_135, %scan3A_136 : i32
    %scan3A_138 = arith.constant 1 : i32
    %scan3A_139 = scf.for %scan3A_145 = %scan3A_135 to %scan3A_137 step %scan3A_138 iter_args(%scan3A_146 = %scan3A_134) -> (i32)  : i32 {
      %add3A_147 = arith.constant 1 : i32
      %add3A_148 = arith.addi %scan3A_145, %add3A_147 : i32
      %min3A = arith.constant 39 : i32
      %min3A_149 = arith.minsi %add3A_148, %min3A : i32
      %mul3A_150 = arith.constant 256 : i32
      %mul3A_151 = arith.muli %min3A_149, %mul3A_150 : i32
      %add3A_152 = arith.addi %mul3A_113, %mul3A_151 : i32
      %add3A_153 = arith.constant 0 : i32
      %add3A_154 = arith.addi %add3A_152, %add3A_153 : i32
      %sub3A = arith.constant 1 : i32
      %sub3A_155 = arith.subi %sub3A, %scan3A_146 : i32
      %dma_start3A = arith.constant 0 : i32
      %dma_start3A_156 = arith.constant 0 : i32
      %dma_start3A_157 = tpu.memref_slice %arg6[%sub3A_155, %dma_start3A, %dma_start3A_156] : memref<2x2x128xi32, #tpu.memory_space<vmem>> -> memref<1x1x128xi32, #tpu.memory_space<vmem>>
      %dma_start3A_158 = tpu.memref_squeeze %dma_start3A_157 : memref<1x1x128xi32, #tpu.memory_space<vmem>> -> memref<128xi32, #tpu.memory_space<vmem>>
      %dma_start3A_159 = tpu.memref_slice %arg3[%add3A_154] : memref<655360xi32, #tpu.memory_space<hbm>> -> memref<128xi32, #tpu.memory_space<hbm>>
      %dma_start3A_160 = arith.constant 0 : i32
      %dma_start3A_161 = tpu.memref_slice %arg6[%sub3A_155, %dma_start3A, %dma_start3A_160] : memref<2x2x128xi32, #tpu.memory_space<vmem>> -> memref<1x1x128xi32, #tpu.memory_space<vmem>>
      %dma_start3A_162 = tpu.memref_squeeze %dma_start3A_161 : memref<1x1x128xi32, #tpu.memory_space<vmem>> -> memref<128xi32, #tpu.memory_space<vmem>>
      %dma_start3A_163 = tpu.memref_slice %arg3[%add3A_154] : memref<655360xi32, #tpu.memory_space<hbm>> -> memref<128xi32, #tpu.memory_space<hbm>>
      tpu.enqueue_dma source(%dma_start3A_163 : memref<128xi32, #tpu.memory_space<hbm>>) target(%dma_start3A_162 : memref<128xi32, #tpu.memory_space<vmem>>) target_semaphore(%arg15 : memref<!tpu.dma_semaphore, #tpu.memory_space<semaphore_mem>>)
      %add3A_164 = arith.addi %add3A_117, %mul3A_151 : i32
      %add3A_165 = arith.constant 0 : i32
      %add3A_166 = arith.addi %add3A_164, %add3A_165 : i32
      %sub3A_167 = arith.constant 1 : i32
      %sub3A_168 = arith.subi %sub3A_167, %scan3A_146 : i32
      %dma_start3A_169 = arith.constant 0 : i32
      %dma_start3A_170 = arith.constant 0 : i32
      %dma_start3A_171 = tpu.memref_slice %arg7[%sub3A_168, %dma_start3A_169, %dma_start3A_170] : memref<2x2x128xi32, #tpu.memory_space<vmem>> -> memref<1x1x128xi32, #tpu.memory_space<vmem>>
      %dma_start3A_172 = tpu.memref_squeeze %dma_start3A_171 : memref<1x1x128xi32, #tpu.memory_space<vmem>> -> memref<128xi32, #tpu.memory_space<vmem>>
      %dma_start3A_173 = tpu.memref_slice %arg3[%add3A_166] : memref<655360xi32, #tpu.memory_space<hbm>> -> memref<128xi32, #tpu.memory_space<hbm>>
      %dma_start3A_174 = arith.constant 0 : i32
      %dma_start3A_175 = tpu.memref_slice %arg7[%sub3A_168, %dma_start3A_169, %dma_start3A_174] : memref<2x2x128xi32, #tpu.memory_space<vmem>> -> memref<1x1x128xi32, #tpu.memory_space<vmem>>
      %dma_start3A_176 = tpu.memref_squeeze %dma_start3A_175 : memref<1x1x128xi32, #tpu.memory_space<vmem>> -> memref<128xi32, #tpu.memory_space<vmem>>
      %dma_start3A_177 = tpu.memref_slice %arg3[%add3A_166] : memref<655360xi32, #tpu.memory_space<hbm>> -> memref<128xi32, #tpu.memory_space<hbm>>
      tpu.enqueue_dma source(%dma_start3A_177 : memref<128xi32, #tpu.memory_space<hbm>>) target(%dma_start3A_176 : memref<128xi32, #tpu.memory_space<vmem>>) target_semaphore(%arg16 : memref<!tpu.dma_semaphore, #tpu.memory_space<semaphore_mem>>)
      %add3A_178 = arith.addi %mul3A_113, %mul3A_151 : i32
      %add3A_179 = arith.constant 128 : i32
      %add3A_180 = arith.addi %add3A_178, %add3A_179 : i32
      %sub3A_181 = arith.constant 1 : i32
      %sub3A_182 = arith.subi %sub3A_181, %scan3A_146 : i32
      %dma_start3A_183 = arith.constant 1 : i32
      %dma_start3A_184 = arith.constant 0 : i32
      %dma_start3A_185 = tpu.memref_slice %arg6[%sub3A_182, %dma_start3A_183, %dma_start3A_184] : memref<2x2x128xi32, #tpu.memory_space<vmem>> -> memref<1x1x128xi32, #tpu.memory_space<vmem>>
      %dma_start3A_186 = tpu.memref_squeeze %dma_start3A_185 : memref<1x1x128xi32, #tpu.memory_space<vmem>> -> memref<128xi32, #tpu.memory_space<vmem>>
      %dma_start3A_187 = tpu.memref_slice %arg3[%add3A_180] : memref<655360xi32, #tpu.memory_space<hbm>> -> memref<128xi32, #tpu.memory_space<hbm>>
      %dma_start3A_188 = arith.constant 0 : i32
      %dma_start3A_189 = tpu.memref_slice %arg6[%sub3A_182, %dma_start3A_183, %dma_start3A_188] : memref<2x2x128xi32, #tpu.memory_space<vmem>> -> memref<1x1x128xi32, #tpu.memory_space<vmem>>
      %dma_start3A_190 = tpu.memref_squeeze %dma_start3A_189 : memref<1x1x128xi32, #tpu.memory_space<vmem>> -> memref<128xi32, #tpu.memory_space<vmem>>
      %dma_start3A_191 = tpu.memref_slice %arg3[%add3A_180] : memref<655360xi32, #tpu.memory_space<hbm>> -> memref<128xi32, #tpu.memory_space<hbm>>
      tpu.enqueue_dma source(%dma_start3A_191 : memref<128xi32, #tpu.memory_space<hbm>>) target(%dma_start3A_190 : memref<128xi32, #tpu.memory_space<vmem>>) target_semaphore(%arg15 : memref<!tpu.dma_semaphore, #tpu.memory_space<semaphore_mem>>)
      %add3A_192 = arith.addi %add3A_117, %mul3A_151 : i32
      %add3A_193 = arith.constant 128 : i32
      %add3A_194 = arith.addi %add3A_192, %add3A_193 : i32
      %sub3A_195 = arith.constant 1 : i32
      %sub3A_196 = arith.subi %sub3A_195, %scan3A_146 : i32
      %dma_start3A_197 = arith.constant 1 : i32
      %dma_start3A_198 = arith.constant 0 : i32
      %dma_start3A_199 = tpu.memref_slice %arg7[%sub3A_196, %dma_start3A_197, %dma_start3A_198] : memref<2x2x128xi32, #tpu.memory_space<vmem>> -> memref<1x1x128xi32, #tpu.memory_space<vmem>>
      %dma_start3A_200 = tpu.memref_squeeze %dma_start3A_199 : memref<1x1x128xi32, #tpu.memory_space<vmem>> -> memref<128xi32, #tpu.memory_space<vmem>>
      %dma_start3A_201 = tpu.memref_slice %arg3[%add3A_194] : memref<655360xi32, #tpu.memory_space<hbm>> -> memref<128xi32, #tpu.memory_space<hbm>>
      %dma_start3A_202 = arith.constant 0 : i32
      %dma_start3A_203 = tpu.memref_slice %arg7[%sub3A_196, %dma_start3A_197, %dma_start3A_202] : memref<2x2x128xi32, #tpu.memory_space<vmem>> -> memref<1x1x128xi32, #tpu.memory_space<vmem>>
      %dma_start3A_204 = tpu.memref_squeeze %dma_start3A_203 : memref<1x1x128xi32, #tpu.memory_space<vmem>> -> memref<128xi32, #tpu.memory_space<vmem>>
      %dma_start3A_205 = tpu.memref_slice %arg3[%add3A_194] : memref<655360xi32, #tpu.memory_space<hbm>> -> memref<128xi32, #tpu.memory_space<hbm>>
      tpu.enqueue_dma source(%dma_start3A_205 : memref<128xi32, #tpu.memory_space<hbm>>) target(%dma_start3A_204 : memref<128xi32, #tpu.memory_space<vmem>>) target_semaphore(%arg16 : memref<!tpu.dma_semaphore, #tpu.memory_space<semaphore_mem>>)
      %dma_start3A_206 = arith.constant 0 : i32
      %dma_start3A_207 = arith.constant 0 : i32
      %dma_start3A_208 = arith.constant 0 : i32
      %dma_start3A_209 = arith.constant 0 : i32
      %dma_start3A_210 = tpu.memref_slice %arg8[%dma_start3A_207, %dma_start3A_208, %dma_start3A_209] : memref<2x128x128xf32, #tpu.memory_space<vmem>> -> memref<1x128x128xf32, #tpu.memory_space<vmem>>
      %dma_start3A_211 = tpu.memref_squeeze %dma_start3A_210 : memref<1x128x128xf32, #tpu.memory_space<vmem>> -> memref<128x128xf32, #tpu.memory_space<vmem>>
      %dma_start3A_212 = arith.constant 0 : i32
      %dma_start3A_213 = tpu.memref_slice %arg6[%scan3A_146, %dma_start3A_206, %dma_start3A_212] : memref<2x2x128xi32, #tpu.memory_space<vmem>> -> memref<1x1x128xi32, #tpu.memory_space<vmem>>
      %dma_start3A_214 = tpu.memref_squeeze %dma_start3A_213 : memref<1x1x128xi32, #tpu.memory_space<vmem>> -> memref<128xi32, #tpu.memory_space<vmem>>
      %dma_start3A_215 = arith.constant 0 : i32
      %dma_start3A_216 = arith.constant 0 : i32
      %dma_start3A_217 = tpu.memref_slice %arg2[%dma_start3A_215, %dma_start3A_216] : memref<10000x128xf32, #tpu.memory_space<hbm>> -> memref<10000x128xf32, #tpu.memory_space<hbm>>
      tpu.enqueue_indirect_dma source(%dma_start3A_217 : memref<10000x128xf32, #tpu.memory_space<hbm>>) target(%dma_start3A_211 : memref<128x128xf32, #tpu.memory_space<vmem>>) offsets(%dma_start3A_214 : memref<128xi32, #tpu.memory_space<vmem>>) semaphore(%arg13 : memref<!tpu.dma_semaphore, #tpu.memory_space<semaphore_mem>>)
      %dma_start3A_218 = arith.constant 1 : i32
      %dma_start3A_219 = arith.constant 1 : i32
      %dma_start3A_220 = arith.constant 0 : i32
      %dma_start3A_221 = arith.constant 0 : i32
      %dma_start3A_222 = tpu.memref_slice %arg8[%dma_start3A_219, %dma_start3A_220, %dma_start3A_221] : memref<2x128x128xf32, #tpu.memory_space<vmem>> -> memref<1x128x128xf32, #tpu.memory_space<vmem>>
      %dma_start3A_223 = tpu.memref_squeeze %dma_start3A_222 : memref<1x128x128xf32, #tpu.memory_space<vmem>> -> memref<128x128xf32, #tpu.memory_space<vmem>>
      %dma_start3A_224 = arith.constant 0 : i32
      %dma_start3A_225 = tpu.memref_slice %arg6[%scan3A_146, %dma_start3A_218, %dma_start3A_224] : memref<2x2x128xi32, #tpu.memory_space<vmem>> -> memref<1x1x128xi32, #tpu.memory_space<vmem>>
      %dma_start3A_226 = tpu.memref_squeeze %dma_start3A_225 : memref<1x1x128xi32, #tpu.memory_space<vmem>> -> memref<128xi32, #tpu.memory_space<vmem>>
      %dma_start3A_227 = arith.constant 0 : i32
      %dma_start3A_228 = arith.constant 0 : i32
      %dma_start3A_229 = tpu.memref_slice %arg2[%dma_start3A_227, %dma_start3A_228] : memref<10000x128xf32, #tpu.memory_space<hbm>> -> memref<10000x128xf32, #tpu.memory_space<hbm>>
      tpu.enqueue_indirect_dma source(%dma_start3A_229 : memref<10000x128xf32, #tpu.memory_space<hbm>>) target(%dma_start3A_223 : memref<128x128xf32, #tpu.memory_space<vmem>>) offsets(%dma_start3A_226 : memref<128xi32, #tpu.memory_space<vmem>>) semaphore(%arg14 : memref<!tpu.dma_semaphore, #tpu.memory_space<semaphore_mem>>)
      %dma_wait3A = arith.constant 0 : i32
      %dma_wait3A_230 = arith.constant 0 : i32
      %dma_wait3A_231 = arith.constant 0 : i32
      %dma_wait3A_232 = arith.constant 0 : i32
      %dma_wait3A_233 = tpu.memref_slice %arg8[%dma_wait3A_230, %dma_wait3A_231, %dma_wait3A_232] : memref<2x128x128xf32, #tpu.memory_space<vmem>> -> memref<1x128x128xf32, #tpu.memory_space<vmem>>
      %dma_wait3A_234 = tpu.memref_squeeze %dma_wait3A_233 : memref<1x128x128xf32, #tpu.memory_space<vmem>> -> memref<128x128xf32, #tpu.memory_space<vmem>>
      %dma_wait3A_235 = arith.constant 0 : i32
      %dma_wait3A_236 = tpu.memref_slice %arg6[%scan3A_146, %dma_wait3A, %dma_wait3A_235] : memref<2x2x128xi32, #tpu.memory_space<vmem>> -> memref<1x1x128xi32, #tpu.memory_space<vmem>>
      %dma_wait3A_237 = tpu.memref_squeeze %dma_wait3A_236 : memref<1x1x128xi32, #tpu.memory_space<vmem>> -> memref<128xi32, #tpu.memory_space<vmem>>
      %dma_wait3A_238 = arith.constant 0 : i32
      %dma_wait3A_239 = arith.constant 0 : i32
      %dma_wait3A_240 = tpu.memref_slice %arg2[%dma_wait3A_238, %dma_wait3A_239] : memref<10000x128xf32, #tpu.memory_space<hbm>> -> memref<10000x128xf32, #tpu.memory_space<hbm>>
      tpu.wait_indirect_dma semaphore(%arg13 : memref<!tpu.dma_semaphore, #tpu.memory_space<semaphore_mem>>) src(%dma_wait3A_240 : memref<10000x128xf32, #tpu.memory_space<hbm>>) dst(%dma_wait3A_234 : memref<128x128xf32, #tpu.memory_space<vmem>>)
      %dma_start3A_241 = arith.constant 0 : i32
      %dma_start3A_242 = arith.constant 0 : i32
      %dma_start3A_243 = arith.constant 0 : i32
      %dma_start3A_244 = arith.constant 0 : i32
      %dma_start3A_245 = tpu.memref_slice %arg8[%dma_start3A_241, %dma_start3A_243, %dma_start3A_244] : memref<2x128x128xf32, #tpu.memory_space<vmem>> -> memref<1x128x128xf32, #tpu.memory_space<vmem>>
      %dma_start3A_246 = tpu.memref_squeeze %dma_start3A_245 : memref<1x128x128xf32, #tpu.memory_space<vmem>> -> memref<128x128xf32, #tpu.memory_space<vmem>>
      %dma_start3A_247 = arith.constant 0 : i32
      %dma_start3A_248 = tpu.memref_slice %arg7[%scan3A_146, %dma_start3A_242, %dma_start3A_247] : memref<2x2x128xi32, #tpu.memory_space<vmem>> -> memref<1x1x128xi32, #tpu.memory_space<vmem>>
      %dma_start3A_249 = tpu.memref_squeeze %dma_start3A_248 : memref<1x1x128xi32, #tpu.memory_space<vmem>> -> memref<128xi32, #tpu.memory_space<vmem>>
      %dma_start3A_250 = arith.constant 0 : i32
      %dma_start3A_251 = arith.constant 0 : i32
      %dma_start3A_252 = tpu.memref_slice %arg11[%dma_start3A_250, %dma_start3A_251] : memref<10240x128xf32, #tpu.memory_space<vmem_shared>> -> memref<10240x128xf32, #tpu.memory_space<vmem_shared>>
      tpu.enqueue_indirect_dma source(%dma_start3A_246 : memref<128x128xf32, #tpu.memory_space<vmem>>) target(%dma_start3A_252 : memref<10240x128xf32, #tpu.memory_space<vmem_shared>>) offsets(%dma_start3A_249 : memref<128xi32, #tpu.memory_space<vmem>>) semaphore(%arg17 : memref<!tpu.dma_semaphore, #tpu.memory_space<semaphore_mem>>) {add = true}
      %dma_start3A_253 = arith.constant 0 : i32
      %dma_start3A_254 = arith.constant 0 : i32
      %dma_start3A_255 = tpu.memref_slice %arg7[%scan3A_146, %dma_start3A_253, %dma_start3A_254] : memref<2x2x128xi32, #tpu.memory_space<vmem>> -> memref<1x1x128xi32, #tpu.memory_space<vmem>>
      %dma_start3A_256 = tpu.memref_squeeze %dma_start3A_255 : memref<1x1x128xi32, #tpu.memory_space<vmem>> -> memref<128xi32, #tpu.memory_space<vmem>>
      %dma_start3A_257 = arith.constant 0 : i32
      %dma_start3A_258 = tpu.memref_slice %arg12[%dma_start3A_257] : memref<10240xf32, #tpu.memory_space<vmem_shared>> -> memref<10240xf32, #tpu.memory_space<vmem_shared>>
      tpu.enqueue_indirect_dma source(%arg9 : memref<128xf32, #tpu.memory_space<vmem>>) target(%dma_start3A_258 : memref<10240xf32, #tpu.memory_space<vmem_shared>>) offsets(%dma_start3A_256 : memref<128xi32, #tpu.memory_space<vmem>>) semaphore(%arg17 : memref<!tpu.dma_semaphore, #tpu.memory_space<semaphore_mem>>) {add = true}
      %dma_wait3A_259 = arith.constant 1 : i32
      %dma_wait3A_260 = arith.constant 1 : i32
      %dma_wait3A_261 = arith.constant 0 : i32
      %dma_wait3A_262 = arith.constant 0 : i32
      %dma_wait3A_263 = tpu.memref_slice %arg8[%dma_wait3A_260, %dma_wait3A_261, %dma_wait3A_262] : memref<2x128x128xf32, #tpu.memory_space<vmem>> -> memref<1x128x128xf32, #tpu.memory_space<vmem>>
      %dma_wait3A_264 = tpu.memref_squeeze %dma_wait3A_263 : memref<1x128x128xf32, #tpu.memory_space<vmem>> -> memref<128x128xf32, #tpu.memory_space<vmem>>
      %dma_wait3A_265 = arith.constant 0 : i32
      %dma_wait3A_266 = tpu.memref_slice %arg6[%scan3A_146, %dma_wait3A_259, %dma_wait3A_265] : memref<2x2x128xi32, #tpu.memory_space<vmem>> -> memref<1x1x128xi32, #tpu.memory_space<vmem>>
      %dma_wait3A_267 = tpu.memref_squeeze %dma_wait3A_266 : memref<1x1x128xi32, #tpu.memory_space<vmem>> -> memref<128xi32, #tpu.memory_space<vmem>>
      %dma_wait3A_268 = arith.constant 0 : i32
      %dma_wait3A_269 = arith.constant 0 : i32
      %dma_wait3A_270 = tpu.memref_slice %arg2[%dma_wait3A_268, %dma_wait3A_269] : memref<10000x128xf32, #tpu.memory_space<hbm>> -> memref<10000x128xf32, #tpu.memory_space<hbm>>
      tpu.wait_indirect_dma semaphore(%arg14 : memref<!tpu.dma_semaphore, #tpu.memory_space<semaphore_mem>>) src(%dma_wait3A_270 : memref<10000x128xf32, #tpu.memory_space<hbm>>) dst(%dma_wait3A_264 : memref<128x128xf32, #tpu.memory_space<vmem>>)
      %dma_start3A_271 = arith.constant 1 : i32
      %dma_start3A_272 = arith.constant 1 : i32
      %dma_start3A_273 = arith.constant 0 : i32
      %dma_start3A_274 = arith.constant 0 : i32
      %dma_start3A_275 = tpu.memref_slice %arg8[%dma_start3A_271, %dma_start3A_273, %dma_start3A_274] : memref<2x128x128xf32, #tpu.memory_space<vmem>> -> memref<1x128x128xf32, #tpu.memory_space<vmem>>
      %dma_start3A_276 = tpu.memref_squeeze %dma_start3A_275 : memref<1x128x128xf32, #tpu.memory_space<vmem>> -> memref<128x128xf32, #tpu.memory_space<vmem>>
      %dma_start3A_277 = arith.constant 0 : i32
      %dma_start3A_278 = tpu.memref_slice %arg7[%scan3A_146, %dma_start3A_272, %dma_start3A_277] : memref<2x2x128xi32, #tpu.memory_space<vmem>> -> memref<1x1x128xi32, #tpu.memory_space<vmem>>
      %dma_start3A_279 = tpu.memref_squeeze %dma_start3A_278 : memref<1x1x128xi32, #tpu.memory_space<vmem>> -> memref<128xi32, #tpu.memory_space<vmem>>
      %dma_start3A_280 = arith.constant 0 : i32
      %dma_start3A_281 = arith.constant 0 : i32
      %dma_start3A_282 = tpu.memref_slice %arg11[%dma_start3A_280, %dma_start3A_281] : memref<10240x128xf32, #tpu.memory_space<vmem_shared>> -> memref<10240x128xf32, #tpu.memory_space<vmem_shared>>
      tpu.enqueue_indirect_dma source(%dma_start3A_276 : memref<128x128xf32, #tpu.memory_space<vmem>>) target(%dma_start3A_282 : memref<10240x128xf32, #tpu.memory_space<vmem_shared>>) offsets(%dma_start3A_279 : memref<128xi32, #tpu.memory_space<vmem>>) semaphore(%arg17 : memref<!tpu.dma_semaphore, #tpu.memory_space<semaphore_mem>>) {add = true}
      %dma_start3A_283 = arith.constant 1 : i32
      %dma_start3A_284 = arith.constant 0 : i32
      %dma_start3A_285 = tpu.memref_slice %arg7[%scan3A_146, %dma_start3A_283, %dma_start3A_284] : memref<2x2x128xi32, #tpu.memory_space<vmem>> -> memref<1x1x128xi32, #tpu.memory_space<vmem>>
      %dma_start3A_286 = tpu.memref_squeeze %dma_start3A_285 : memref<1x1x128xi32, #tpu.memory_space<vmem>> -> memref<128xi32, #tpu.memory_space<vmem>>
      %dma_start3A_287 = arith.constant 0 : i32
      %dma_start3A_288 = tpu.memref_slice %arg12[%dma_start3A_287] : memref<10240xf32, #tpu.memory_space<vmem_shared>> -> memref<10240xf32, #tpu.memory_space<vmem_shared>>
      tpu.enqueue_indirect_dma source(%arg9 : memref<128xf32, #tpu.memory_space<vmem>>) target(%dma_start3A_288 : memref<10240xf32, #tpu.memory_space<vmem_shared>>) offsets(%dma_start3A_286 : memref<128xi32, #tpu.memory_space<vmem>>) semaphore(%arg17 : memref<!tpu.dma_semaphore, #tpu.memory_space<semaphore_mem>>) {add = true}
      %dma_wait3A_289 = arith.constant 0 : i32
      %dma_wait3A_290 = arith.constant 0 : i32
      %dma_wait3A_291 = arith.constant 0 : i32
      %dma_wait3A_292 = arith.constant 0 : i32
      %dma_wait3A_293 = tpu.memref_slice %arg8[%dma_wait3A_289, %dma_wait3A_291, %dma_wait3A_292] : memref<2x128x128xf32, #tpu.memory_space<vmem>> -> memref<1x128x128xf32, #tpu.memory_space<vmem>>
      %dma_wait3A_294 = tpu.memref_squeeze %dma_wait3A_293 : memref<1x128x128xf32, #tpu.memory_space<vmem>> -> memref<128x128xf32, #tpu.memory_space<vmem>>
      %dma_wait3A_295 = arith.constant 0 : i32
      %dma_wait3A_296 = tpu.memref_slice %arg7[%scan3A_146, %dma_wait3A_290, %dma_wait3A_295] : memref<2x2x128xi32, #tpu.memory_space<vmem>> -> memref<1x1x128xi32, #tpu.memory_space<vmem>>
      %dma_wait3A_297 = tpu.memref_squeeze %dma_wait3A_296 : memref<1x1x128xi32, #tpu.memory_space<vmem>> -> memref<128xi32, #tpu.memory_space<vmem>>
      %dma_wait3A_298 = arith.constant 0 : i32
      %dma_wait3A_299 = arith.constant 0 : i32
      %dma_wait3A_300 = tpu.memref_slice %arg11[%dma_wait3A_298, %dma_wait3A_299] : memref<10240x128xf32, #tpu.memory_space<vmem_shared>> -> memref<10240x128xf32, #tpu.memory_space<vmem_shared>>
      tpu.wait_indirect_dma semaphore(%arg17 : memref<!tpu.dma_semaphore, #tpu.memory_space<semaphore_mem>>) src(%dma_wait3A_294 : memref<128x128xf32, #tpu.memory_space<vmem>>) dst(%dma_wait3A_300 : memref<10240x128xf32, #tpu.memory_space<vmem_shared>>)
      %dma_wait3A_301 = arith.constant 0 : i32
      %dma_wait3A_302 = arith.constant 0 : i32
      %dma_wait3A_303 = tpu.memref_slice %arg7[%scan3A_146, %dma_wait3A_301, %dma_wait3A_302] : memref<2x2x128xi32, #tpu.memory_space<vmem>> -> memref<1x1x128xi32, #tpu.memory_space<vmem>>
      %dma_wait3A_304 = tpu.memref_squeeze %dma_wait3A_303 : memref<1x1x128xi32, #tpu.memory_space<vmem>> -> memref<128xi32, #tpu.memory_space<vmem>>
      %dma_wait3A_305 = arith.constant 0 : i32
      %dma_wait3A_306 = tpu.memref_slice %arg12[%dma_wait3A_305] : memref<10240xf32, #tpu.memory_space<vmem_shared>> -> memref<10240xf32, #tpu.memory_space<vmem_shared>>
      tpu.wait_indirect_dma semaphore(%arg17 : memref<!tpu.dma_semaphore, #tpu.memory_space<semaphore_mem>>) src(%arg9 : memref<128xf32, #tpu.memory_space<vmem>>) dst(%dma_wait3A_306 : memref<10240xf32, #tpu.memory_space<vmem_shared>>)
      %dma_wait3A_307 = arith.constant 1 : i32
      %dma_wait3A_308 = arith.constant 1 : i32
      %dma_wait3A_309 = arith.constant 0 : i32
      %dma_wait3A_310 = arith.constant 0 : i32
      %dma_wait3A_311 = tpu.memref_slice %arg8[%dma_wait3A_307, %dma_wait3A_309, %dma_wait3A_310] : memref<2x128x128xf32, #tpu.memory_space<vmem>> -> memref<1x128x128xf32, #tpu.memory_space<vmem>>
      %dma_wait3A_312 = tpu.memref_squeeze %dma_wait3A_311 : memref<1x128x128xf32, #tpu.memory_space<vmem>> -> memref<128x128xf32, #tpu.memory_space<vmem>>
      %dma_wait3A_313 = arith.constant 0 : i32
      %dma_wait3A_314 = tpu.memref_slice %arg7[%scan3A_146, %dma_wait3A_308, %dma_wait3A_313] : memref<2x2x128xi32, #tpu.memory_space<vmem>> -> memref<1x1x128xi32, #tpu.memory_space<vmem>>
      %dma_wait3A_315 = tpu.memref_squeeze %dma_wait3A_314 : memref<1x1x128xi32, #tpu.memory_space<vmem>> -> memref<128xi32, #tpu.memory_space<vmem>>
      %dma_wait3A_316 = arith.constant 0 : i32
      %dma_wait3A_317 = arith.constant 0 : i32
      %dma_wait3A_318 = tpu.memref_slice %arg11[%dma_wait3A_316, %dma_wait3A_317] : memref<10240x128xf32, #tpu.memory_space<vmem_shared>> -> memref<10240x128xf32, #tpu.memory_space<vmem_shared>>
      tpu.wait_indirect_dma semaphore(%arg17 : memref<!tpu.dma_semaphore, #tpu.memory_space<semaphore_mem>>) src(%dma_wait3A_312 : memref<128x128xf32, #tpu.memory_space<vmem>>) dst(%dma_wait3A_318 : memref<10240x128xf32, #tpu.memory_space<vmem_shared>>)
      %dma_wait3A_319 = arith.constant 1 : i32
      %dma_wait3A_320 = arith.constant 0 : i32
      %dma_wait3A_321 = tpu.memref_slice %arg7[%scan3A_146, %dma_wait3A_319, %dma_wait3A_320] : memref<2x2x128xi32, #tpu.memory_space<vmem>> -> memref<1x1x128xi32, #tpu.memory_space<vmem>>
      %dma_wait3A_322 = tpu.memref_squeeze %dma_wait3A_321 : memref<1x1x128xi32, #tpu.memory_space<vmem>> -> memref<128xi32, #tpu.memory_space<vmem>>
      %dma_wait3A_323 = arith.constant 0 : i32
      %dma_wait3A_324 = tpu.memref_slice %arg12[%dma_wait3A_323] : memref<10240xf32, #tpu.memory_space<vmem_shared>> -> memref<10240xf32, #tpu.memory_space<vmem_shared>>
      tpu.wait_indirect_dma semaphore(%arg17 : memref<!tpu.dma_semaphore, #tpu.memory_space<semaphore_mem>>) src(%arg9 : memref<128xf32, #tpu.memory_space<vmem>>) dst(%dma_wait3A_324 : memref<10240xf32, #tpu.memory_space<vmem_shared>>)
      %dma_wait3A_325 = arith.constant 0 : i32
      %dma_wait3A_326 = arith.constant 0 : i32
      %dma_wait3A_327 = tpu.memref_slice %arg6[%sub3A_155, %dma_wait3A_325, %dma_wait3A_326] : memref<2x2x128xi32, #tpu.memory_space<vmem>> -> memref<1x1x128xi32, #tpu.memory_space<vmem>>
      %dma_wait3A_328 = tpu.memref_squeeze %dma_wait3A_327 : memref<1x1x128xi32, #tpu.memory_space<vmem>> -> memref<128xi32, #tpu.memory_space<vmem>>
      %dma_wait3A_329 = tpu.memref_slice %arg3[%add3A_154] : memref<655360xi32, #tpu.memory_space<hbm>> -> memref<128xi32, #tpu.memory_space<hbm>>
      %dma_wait3A_330 = arith.constant 0 : i32
      %dma_wait3A_331 = tpu.memref_slice %arg6[%sub3A_155, %dma_wait3A_325, %dma_wait3A_330] : memref<2x2x128xi32, #tpu.memory_space<vmem>> -> memref<1x1x128xi32, #tpu.memory_space<vmem>>
      %dma_wait3A_332 = tpu.memref_squeeze %dma_wait3A_331 : memref<1x1x128xi32, #tpu.memory_space<vmem>> -> memref<128xi32, #tpu.memory_space<vmem>>
      %dma_wait3A_333 = tpu.memref_slice %arg3[%add3A_154] : memref<655360xi32, #tpu.memory_space<hbm>> -> memref<128xi32, #tpu.memory_space<hbm>>
      tpu.wait_dma2 semaphore(%arg15 : memref<!tpu.dma_semaphore, #tpu.memory_space<semaphore_mem>>) src(%dma_wait3A_333 : memref<128xi32, #tpu.memory_space<hbm>>) dst(%dma_wait3A_332 : memref<128xi32, #tpu.memory_space<vmem>>)
      %dma_wait3A_334 = arith.constant 0 : i32
      %dma_wait3A_335 = arith.constant 0 : i32
      %dma_wait3A_336 = tpu.memref_slice %arg7[%sub3A_168, %dma_wait3A_334, %dma_wait3A_335] : memref<2x2x128xi32, #tpu.memory_space<vmem>> -> memref<1x1x128xi32, #tpu.memory_space<vmem>>
      %dma_wait3A_337 = tpu.memref_squeeze %dma_wait3A_336 : memref<1x1x128xi32, #tpu.memory_space<vmem>> -> memref<128xi32, #tpu.memory_space<vmem>>
      %dma_wait3A_338 = tpu.memref_slice %arg3[%add3A_166] : memref<655360xi32, #tpu.memory_space<hbm>> -> memref<128xi32, #tpu.memory_space<hbm>>
      %dma_wait3A_339 = arith.constant 0 : i32
      %dma_wait3A_340 = tpu.memref_slice %arg7[%sub3A_168, %dma_wait3A_334, %dma_wait3A_339] : memref<2x2x128xi32, #tpu.memory_space<vmem>> -> memref<1x1x128xi32, #tpu.memory_space<vmem>>
      %dma_wait3A_341 = tpu.memref_squeeze %dma_wait3A_340 : memref<1x1x128xi32, #tpu.memory_space<vmem>> -> memref<128xi32, #tpu.memory_space<vmem>>
      %dma_wait3A_342 = tpu.memref_slice %arg3[%add3A_166] : memref<655360xi32, #tpu.memory_space<hbm>> -> memref<128xi32, #tpu.memory_space<hbm>>
      tpu.wait_dma2 semaphore(%arg16 : memref<!tpu.dma_semaphore, #tpu.memory_space<semaphore_mem>>) src(%dma_wait3A_342 : memref<128xi32, #tpu.memory_space<hbm>>) dst(%dma_wait3A_341 : memref<128xi32, #tpu.memory_space<vmem>>)
      %dma_wait3A_343 = arith.constant 1 : i32
      %dma_wait3A_344 = arith.constant 0 : i32
      %dma_wait3A_345 = tpu.memref_slice %arg6[%sub3A_182, %dma_wait3A_343, %dma_wait3A_344] : memref<2x2x128xi32, #tpu.memory_space<vmem>> -> memref<1x1x128xi32, #tpu.memory_space<vmem>>
      %dma_wait3A_346 = tpu.memref_squeeze %dma_wait3A_345 : memref<1x1x128xi32, #tpu.memory_space<vmem>> -> memref<128xi32, #tpu.memory_space<vmem>>
      %dma_wait3A_347 = tpu.memref_slice %arg3[%add3A_180] : memref<655360xi32, #tpu.memory_space<hbm>> -> memref<128xi32, #tpu.memory_space<hbm>>
      %dma_wait3A_348 = arith.constant 0 : i32
      %dma_wait3A_349 = tpu.memref_slice %arg6[%sub3A_182, %dma_wait3A_343, %dma_wait3A_348] : memref<2x2x128xi32, #tpu.memory_space<vmem>> -> memref<1x1x128xi32, #tpu.memory_space<vmem>>
      %dma_wait3A_350 = tpu.memref_squeeze %dma_wait3A_349 : memref<1x1x128xi32, #tpu.memory_space<vmem>> -> memref<128xi32, #tpu.memory_space<vmem>>
      %dma_wait3A_351 = tpu.memref_slice %arg3[%add3A_180] : memref<655360xi32, #tpu.memory_space<hbm>> -> memref<128xi32, #tpu.memory_space<hbm>>
      tpu.wait_dma2 semaphore(%arg15 : memref<!tpu.dma_semaphore, #tpu.memory_space<semaphore_mem>>) src(%dma_wait3A_351 : memref<128xi32, #tpu.memory_space<hbm>>) dst(%dma_wait3A_350 : memref<128xi32, #tpu.memory_space<vmem>>)
      %dma_wait3A_352 = arith.constant 1 : i32
      %dma_wait3A_353 = arith.constant 0 : i32
      %dma_wait3A_354 = tpu.memref_slice %arg7[%sub3A_196, %dma_wait3A_352, %dma_wait3A_353] : memref<2x2x128xi32, #tpu.memory_space<vmem>> -> memref<1x1x128xi32, #tpu.memory_space<vmem>>
      %dma_wait3A_355 = tpu.memref_squeeze %dma_wait3A_354 : memref<1x1x128xi32, #tpu.memory_space<vmem>> -> memref<128xi32, #tpu.memory_space<vmem>>
      %dma_wait3A_356 = tpu.memref_slice %arg3[%add3A_194] : memref<655360xi32, #tpu.memory_space<hbm>> -> memref<128xi32, #tpu.memory_space<hbm>>
      %dma_wait3A_357 = arith.constant 0 : i32
      %dma_wait3A_358 = tpu.memref_slice %arg7[%sub3A_196, %dma_wait3A_352, %dma_wait3A_357] : memref<2x2x128xi32, #tpu.memory_space<vmem>> -> memref<1x1x128xi32, #tpu.memory_space<vmem>>
      %dma_wait3A_359 = tpu.memref_squeeze %dma_wait3A_358 : memref<1x1x128xi32, #tpu.memory_space<vmem>> -> memref<128xi32, #tpu.memory_space<vmem>>
      %dma_wait3A_360 = tpu.memref_slice %arg3[%add3A_194] : memref<655360xi32, #tpu.memory_space<hbm>> -> memref<128xi32, #tpu.memory_space<hbm>>
      tpu.wait_dma2 semaphore(%arg16 : memref<!tpu.dma_semaphore, #tpu.memory_space<semaphore_mem>>) src(%dma_wait3A_360 : memref<128xi32, #tpu.memory_space<hbm>>) dst(%dma_wait3A_359 : memref<128xi32, #tpu.memory_space<vmem>>)
      %sub3A_361 = arith.constant 1 : i32
      %sub3A_362 = arith.subi %sub3A_361, %scan3A_146 : i32
      scf.yield %sub3A_362 : i32
    }
    %scan3A_140 = arith.constant 40 : i32
    %barrier3A_141 = arith.constant 0 : index
    tpu.barrier barrier_id(%barrier3A_141)
    "tpu.region"() ({
      %run_scoped3A_145 = tpu.sem_alloc : memref<!tpu.dma_semaphore, #tpu.memory_space<semaphore_mem>>
      %dma_start3A = arith.constant 0 : i32
      %dma_start3A_146 = tpu.memref_slice %arg4[%arg0, %mul3A_87, %dma_start3A] : memref<2x10240x128xf32, #tpu.memory_space<hbm>> -> memref<1x640x128xf32, #tpu.memory_space<hbm>>
      %dma_start3A_147 = tpu.memref_squeeze %dma_start3A_146 : memref<1x640x128xf32, #tpu.memory_space<hbm>> -> memref<640x128xf32, #tpu.memory_space<hbm>>
      %dma_start3A_148 = arith.constant 0 : i32
      %dma_start3A_149 = tpu.memref_slice %arg11[%mul3A_87, %dma_start3A_148] : memref<10240x128xf32, #tpu.memory_space<vmem_shared>> -> memref<640x128xf32, #tpu.memory_space<vmem_shared>>
      tpu.enqueue_dma source(%dma_start3A_149 : memref<640x128xf32, #tpu.memory_space<vmem_shared>>) target(%dma_start3A_147 : memref<640x128xf32, #tpu.memory_space<hbm>>) target_semaphore(%run_scoped3A_145 : memref<!tpu.dma_semaphore, #tpu.memory_space<semaphore_mem>>)
      %dma_wait3A = arith.constant 0 : i32
      %dma_wait3A_150 = tpu.memref_slice %arg4[%arg0, %mul3A_87, %dma_wait3A] : memref<2x10240x128xf32, #tpu.memory_space<hbm>> -> memref<1x640x128xf32, #tpu.memory_space<hbm>>
      %dma_wait3A_151 = tpu.memref_squeeze %dma_wait3A_150 : memref<1x640x128xf32, #tpu.memory_space<hbm>> -> memref<640x128xf32, #tpu.memory_space<hbm>>
      %dma_wait3A_152 = arith.constant 0 : i32
      %dma_wait3A_153 = tpu.memref_slice %arg11[%mul3A_87, %dma_wait3A_152] : memref<10240x128xf32, #tpu.memory_space<vmem_shared>> -> memref<640x128xf32, #tpu.memory_space<vmem_shared>>
      tpu.wait_dma2 semaphore(%run_scoped3A_145 : memref<!tpu.dma_semaphore, #tpu.memory_space<semaphore_mem>>) src(%dma_wait3A_153 : memref<640x128xf32, #tpu.memory_space<vmem_shared>>) dst(%dma_wait3A_151 : memref<640x128xf32, #tpu.memory_space<hbm>>)
      tpu.yield
    }) : () -> ()
    %mul3A_142 = arith.constant 10240 : i32
    %mul3A_143 = arith.muli %arg0, %mul3A_142 : i32
    %add3A_144 = arith.addi %mul3A_143, %mul3A_87 : i32
    "tpu.region"() ({
      %run_scoped3A_145 = tpu.sem_alloc : memref<!tpu.dma_semaphore, #tpu.memory_space<semaphore_mem>>
      %dma_start3A = tpu.memref_slice %arg5[%add3A_144] : memref<20480xf32, #tpu.memory_space<hbm>> -> memref<640xf32, #tpu.memory_space<hbm>>
      %dma_start3A_146 = tpu.memref_slice %arg12[%mul3A_87] : memref<10240xf32, #tpu.memory_space<vmem_shared>> -> memref<640xf32, #tpu.memory_space<vmem_shared>>
      tpu.enqueue_dma source(%dma_start3A_146 : memref<640xf32, #tpu.memory_space<vmem_shared>>) target(%dma_start3A : memref<640xf32, #tpu.memory_space<hbm>>) target_semaphore(%run_scoped3A_145 : memref<!tpu.dma_semaphore, #tpu.memory_space<semaphore_mem>>)
      %dma_wait3A = tpu.memref_slice %arg5[%add3A_144] : memref<20480xf32, #tpu.memory_space<hbm>> -> memref<640xf32, #tpu.memory_space<hbm>>
      %dma_wait3A_147 = tpu.memref_slice %arg12[%mul3A_87] : memref<10240xf32, #tpu.memory_space<vmem_shared>> -> memref<640xf32, #tpu.memory_space<vmem_shared>>
      tpu.wait_dma2 semaphore(%run_scoped3A_145 : memref<!tpu.dma_semaphore, #tpu.memory_space<semaphore_mem>>) src(%dma_wait3A_147 : memref<640xf32, #tpu.memory_space<vmem_shared>>) dst(%dma_wait3A : memref<640xf32, #tpu.memory_space<hbm>>)
      tpu.yield
    }) : () -> ()
    return
  }
}

module attributes {stable_mosaic.version = 14 : i64} {
  func.func @_proj_kernel(%arg0: i32, %arg1: memref<2000x128xf32, #tpu.memory_space<vmem>>, %arg2: memref<128x128xf32, #tpu.memory_space<vmem>>, %arg3: memref<2000x128xf32, #tpu.memory_space<vmem>>) attributes {dimension_semantics = [#tpu.dimension_semantics<arbitrary>], iteration_bounds = array<i64: 5>, scalar_prefetch = 0 : i64, scratch_operands = 0 : i64, tpu.core_type = #tpu.core_type<tc>, window_params = [{transform_indices = @transform_0, window_bounds = array<i64: 2000, 128>}, {pipeline_mode = #tpu.pipeline_mode<synchronous>, transform_indices = @transform_1, window_bounds = array<i64: 128, 128>}, {transform_indices = @transform_2, window_bounds = array<i64: 2000, 128>}]} {
    %get3A = arith.constant 0 : index
    %get3A_0 = arith.constant 0 : index
    %get3A_1 = vector.load %arg1[%get3A, %get3A_0] : memref<2000x128xf32, #tpu.memory_space<vmem>>, vector<2000x128xf32>
    %get3A_2 = arith.constant 0 : index
    %get3A_3 = arith.constant 0 : index
    %get3A_4 = vector.load %arg2[%get3A_2, %get3A_3] : memref<128x128xf32, #tpu.memory_space<vmem>>, vector<128x128xf32>
    %dot_general3A = arith.constant dense<0.000000e+00> : vector<2000x128xf32>
    %dot_general3A_5 = tpu.matmul %get3A_1, %get3A_4, %dot_general3A {dimension_numbers = #tpu.dot_dimension_numbers<[1], [0], [0], [1], [0, 0, 1, 1], [], []>, transpose_lhs_hint = false} : vector<2000x128xf32>, vector<128x128xf32>, vector<2000x128xf32> -> vector<2000x128xf32>
    %swap3A = arith.constant 0 : index
    %swap3A_6 = arith.constant 0 : index
    %swap3A_7 = vector.load %arg3[%swap3A, %swap3A_6] : memref<2000x128xf32, #tpu.memory_space<vmem>>, vector<2000x128xf32>
    tpu.vector_store %arg3[%swap3A, %swap3A_6], %dot_general3A_5 {strides = array<i32>} : memref<2000x128xf32, #tpu.memory_space<vmem>>, vector<2000x128xf32>,
    return
  }
  func.func @transform_0(%arg0: i32) -> (i32, i32) {
    %c0_i32 = arith.constant 0 : i32
    %c0_i32_0 = arith.constant 0 : i32
    return %arg0, %c0_i32 : i32, i32
  }
  func.func @transform_1(%arg0: i32) -> (i32, i32) {
    %c0_i32 = arith.constant 0 : i32
    %c0_i32_0 = arith.constant 0 : i32
    %c0_i32_1 = arith.constant 0 : i32
    return %c0_i32, %c0_i32_0 : i32, i32
  }
  func.func @transform_2(%arg0: i32) -> (i32, i32) {
    %c0_i32 = arith.constant 0 : i32
    %c0_i32_0 = arith.constant 0 : i32
    return %arg0, %c0_i32 : i32, i32
  }
}

module attributes {stable_mosaic.version = 14 : i64} {
  func.func @_edge_prep_kernel(%arg0: i32, %arg1: memref<2x320000xi32, #tpu.memory_space<vmem>>, %arg2: memref<655360xi32, #tpu.memory_space<vmem>>) attributes {dimension_semantics = [#tpu.dimension_semantics<arbitrary>], iteration_bounds = array<i64: 1>, scalar_prefetch = 0 : i64, scratch_operands = 0 : i64, tpu.core_type = #tpu.core_type<tc>, window_params = [{pipeline_mode = #tpu.pipeline_mode<synchronous>, transform_indices = @transform_0, window_bounds = array<i64: 2, 320000>}, {pipeline_mode = #tpu.pipeline_mode<synchronous>, transform_indices = @transform_1, window_bounds = array<i64: 655360>}]} {
    %iota3A = tpu.iota {dimensions = array<i32: 1>} : vector<1x7680xi32>
    %iota3A_0 = vector.shape_cast %iota3A : vector<1x7680xi32> to vector<7680xi32>
    %get3A = arith.constant 0 : index
    %get3A_1 = arith.constant 0 : index
    %get3A_2 = vector.load %arg1[%get3A, %get3A_1] : memref<2x320000xi32, #tpu.memory_space<vmem>>, vector<1x320000xi32>
    %get3A_3 = vector.shape_cast %get3A_2 : vector<1x320000xi32> to vector<320000xi32>
    %swap3A = arith.constant 0 : index
    %swap3A_4 = vector.load %arg2[%swap3A] : memref<655360xi32, #tpu.memory_space<vmem>>, vector<320000xi32>
    tpu.vector_store %arg2[%swap3A], %get3A_3 {strides = array<i32>} : memref<655360xi32, #tpu.memory_space<vmem>>, vector<320000xi32>,
    %mul3A = arith.constant 37 : i32
    %mul3A_5 = vector.broadcast %mul3A : i32 to vector<7680xi32>
    %mul3A_6 = arith.muli %iota3A_0, %mul3A_5 : vector<7680xi32>
    %jit3A = arith.constant 10000 : i32
    %eq3A = arith.constant 0 : i32
    %eq3A_7 = arith.cmpi eq, %jit3A, %eq3A : i32
    %jit3A_8 = arith.constant 1 : i32
    %select_n3A = arith.select %eq3A_7, %jit3A_8, %jit3A : i32
    %rem3A = vector.broadcast %select_n3A : i32 to vector<7680xi32>
    %rem3A_9 = arith.remsi %mul3A_6, %rem3A : vector<7680xi32>
    %ne3A = arith.constant 0 : i32
    %ne3A_10 = vector.broadcast %ne3A : i32 to vector<7680xi32>
    %ne3A_11 = arith.cmpi ne, %rem3A_9, %ne3A_10 : vector<7680xi32>
    %lt3A = arith.constant 0 : i32
    %lt3A_12 = vector.broadcast %lt3A : i32 to vector<7680xi32>
    %lt3A_13 = arith.cmpi slt, %rem3A_9, %lt3A_12 : vector<7680xi32>
    %lt3A_14 = arith.constant 0 : i32
    %lt3A_15 = arith.cmpi slt, %select_n3A, %lt3A_14 : i32
    %ne3A_16 = vector.broadcast %lt3A_15 : i1 to vector<7680xi1>
    %ne3A_17 = vector.broadcast %ne3A_16 : vector<7680xi1> to vector<7680xi1>
    %ne3A_18 = arith.xori %lt3A_13, %ne3A_17 : vector<7680xi1>
    %and3A = arith.andi %ne3A_18, %ne3A_11 : vector<7680xi1>
    %add3A = vector.broadcast %select_n3A : i32 to vector<7680xi32>
    %add3A_19 = arith.addi %rem3A_9, %add3A : vector<7680xi32>
    %select_n3A_20 = arith.select %and3A, %add3A_19, %rem3A_9 : vector<7680xi1>, vector<7680xi32>
    %swap3A_21 = arith.constant 320000 : index
    %swap3A_22 = vector.load %arg2[%swap3A_21] : memref<655360xi32, #tpu.memory_space<vmem>>, vector<7680xi32>
    tpu.vector_store %arg2[%swap3A_21], %select_n3A_20 {strides = array<i32>} : memref<655360xi32, #tpu.memory_space<vmem>>, vector<7680xi32>,
    %get3A_23 = arith.constant 1 : index
    %get3A_24 = arith.constant 0 : index
    %get3A_25 = vector.load %arg1[%get3A_23, %get3A_24] : memref<2x320000xi32, #tpu.memory_space<vmem>>, vector<1x320000xi32>
    %get3A_26 = vector.shape_cast %get3A_25 : vector<1x320000xi32> to vector<320000xi32>
    %swap3A_27 = arith.constant 327680 : index
    %swap3A_28 = vector.load %arg2[%swap3A_27] : memref<655360xi32, #tpu.memory_space<vmem>>, vector<320000xi32>
    tpu.vector_store %arg2[%swap3A_27], %get3A_26 {strides = array<i32>} : memref<655360xi32, #tpu.memory_space<vmem>>, vector<320000xi32>,
    %jit3A_29 = arith.constant 240 : i32
    %eq3A_30 = arith.constant 0 : i32
    %eq3A_31 = arith.cmpi eq, %jit3A_29, %eq3A_30 : i32
    %jit3A_32 = arith.constant 1 : i32
    %select_n3A_33 = arith.select %eq3A_31, %jit3A_32, %jit3A_29 : i32
    %rem3A_34 = vector.broadcast %select_n3A_33 : i32 to vector<7680xi32>
    %rem3A_35 = arith.remsi %iota3A_0, %rem3A_34 : vector<7680xi32>
    %ne3A_36 = arith.constant 0 : i32
    %ne3A_37 = vector.broadcast %ne3A_36 : i32 to vector<7680xi32>
    %ne3A_38 = arith.cmpi ne, %rem3A_35, %ne3A_37 : vector<7680xi32>
    %lt3A_39 = arith.constant 0 : i32
    %lt3A_40 = vector.broadcast %lt3A_39 : i32 to vector<7680xi32>
    %lt3A_41 = arith.cmpi slt, %rem3A_35, %lt3A_40 : vector<7680xi32>
    %lt3A_42 = arith.constant 0 : i32
    %lt3A_43 = arith.cmpi slt, %select_n3A_33, %lt3A_42 : i32
    %ne3A_44 = vector.broadcast %lt3A_43 : i1 to vector<7680xi1>
    %ne3A_45 = vector.broadcast %ne3A_44 : vector<7680xi1> to vector<7680xi1>
    %ne3A_46 = arith.xori %lt3A_41, %ne3A_45 : vector<7680xi1>
    %and3A_47 = arith.andi %ne3A_46, %ne3A_38 : vector<7680xi1>
    %add3A_48 = vector.broadcast %select_n3A_33 : i32 to vector<7680xi32>
    %add3A_49 = arith.addi %rem3A_35, %add3A_48 : vector<7680xi32>
    %select_n3A_50 = arith.select %and3A_47, %add3A_49, %rem3A_35 : vector<7680xi1>, vector<7680xi32>
    %add3A_51 = arith.constant 10000 : i32
    %add3A_52 = vector.broadcast %add3A_51 : i32 to vector<7680xi32>
    %add3A_53 = arith.addi %add3A_52, %select_n3A_50 : vector<7680xi32>
    %swap3A_54 = arith.constant 647680 : index
    %swap3A_55 = vector.load %arg2[%swap3A_54] : memref<655360xi32, #tpu.memory_space<vmem>>, vector<7680xi32>
    tpu.vector_store %arg2[%swap3A_54], %add3A_53 {strides = array<i32>} : memref<655360xi32, #tpu.memory_space<vmem>>, vector<7680xi32>,
    return
  }
  func.func @transform_0(%arg0: i32) -> (i32, i32) {
    %c0_i32 = arith.constant 0 : i32
    %c0_i32_0 = arith.constant 0 : i32
    %c0_i32_1 = arith.constant 0 : i32
    return %c0_i32, %c0_i32_0 : i32, i32
  }
  func.func @transform_1(%arg0: i32) -> i32 {
    %c0_i32 = arith.constant 0 : i32
    %c0_i32_0 = arith.constant 0 : i32
    return %c0_i32 : i32
  }
}

module attributes {stable_mosaic.version = 14 : i64} {
  func.func @_final_kernel(%arg0: i32, %arg1: memref<2x2000x128xf32, #tpu.memory_space<vmem>>, %arg2: memref<2000x2xf32, #tpu.memory_space<vmem>>, %arg3: memref<2000x128xf32, #tpu.memory_space<vmem>>, %arg4: memref<128x128xf32, #tpu.memory_space<vmem>>, %arg5: memref<1x128xf32, #tpu.memory_space<vmem>>, %arg6: memref<2000x128xf32, #tpu.memory_space<vmem>>) attributes {dimension_semantics = [#tpu.dimension_semantics<arbitrary>], iteration_bounds = array<i64: 5>, scalar_prefetch = 0 : i64, scratch_operands = 0 : i64, tpu.core_type = #tpu.core_type<tc>, window_params = [{transform_indices = @transform_0, window_bounds = array<i64: 2, 2000, 128>}, {transform_indices = @transform_1, window_bounds = array<i64: 2000, 2>}, {transform_indices = @transform_2, window_bounds = array<i64: 2000, 128>}, {pipeline_mode = #tpu.pipeline_mode<synchronous>, transform_indices = @transform_3, window_bounds = array<i64: 128, 128>}, {pipeline_mode = #tpu.pipeline_mode<synchronous>, transform_indices = @transform_4, window_bounds = array<i64: 1, 128>}, {transform_indices = @transform_5, window_bounds = array<i64: 2000, 128>}]} {
    %get3A = arith.constant 0 : index
    %get3A_0 = arith.constant 0 : index
    %get3A_1 = arith.constant 0 : index
    %get3A_2 = vector.load %arg1[%get3A, %get3A_0, %get3A_1] : memref<2x2000x128xf32, #tpu.memory_space<vmem>>, vector<1x2000x128xf32>
    %get3A_3 = vector.shape_cast %get3A_2 : vector<1x2000x128xf32> to vector<2000x128xf32>
    %get3A_4 = arith.constant 1 : index
    %get3A_5 = arith.constant 0 : index
    %get3A_6 = arith.constant 0 : index
    %get3A_7 = vector.load %arg1[%get3A_4, %get3A_5, %get3A_6] : memref<2x2000x128xf32, #tpu.memory_space<vmem>>, vector<1x2000x128xf32>
    %get3A_8 = vector.shape_cast %get3A_7 : vector<1x2000x128xf32> to vector<2000x128xf32>
    %add3A = arith.addf %get3A_3, %get3A_8 : vector<2000x128xf32>
    %get3A_9 = arith.constant 0 : index
    %get3A_10 = arith.constant 0 : index
    %get3A_11 = vector.load %arg3[%get3A_9, %get3A_10] : memref<2000x128xf32, #tpu.memory_space<vmem>>, vector<2000x128xf32>
    %add3A_12 = arith.addf %add3A, %get3A_11 : vector<2000x128xf32>
    %get3A_13 = arith.constant 0 : index
    %get3A_14 = arith.constant 0 : index
    %get3A_15 = vector.load %arg2[%get3A_13, %get3A_14] : memref<2000x2xf32, #tpu.memory_space<vmem>>, vector<2000x1xf32>
    %get3A_16 = vector.shape_cast %get3A_15 : vector<2000x1xf32> to vector<2000xf32>
    %get3A_17 = arith.constant 0 : index
    %get3A_18 = arith.constant 1 : index
    %get3A_19 = vector.load %arg2[%get3A_17, %get3A_18] : memref<2000x2xf32, #tpu.memory_space<vmem>>, vector<2000x1xf32>
    %get3A_20 = vector.shape_cast %get3A_19 : vector<2000x1xf32> to vector<2000xf32>
    %add3A_21 = arith.addf %get3A_16, %get3A_20 : vector<2000xf32>
    %add3A_22 = arith.constant 1.000000e+00 : f32
    %add3A_23 = vector.broadcast %add3A_22 : f32 to vector<2000xf32>
    %add3A_24 = arith.addf %add3A_21, %add3A_23 : vector<2000xf32>
    %broadcast_in_dim3A = vector.shape_cast %add3A_24 : vector<2000xf32> to vector<2000x1xf32>
    %div3A = vector.broadcast %broadcast_in_dim3A : vector<2000x1xf32> to vector<2000x128xf32>
    %div3A_25 = arith.divf %add3A_12, %div3A : vector<2000x128xf32>
    %get3A_26 = arith.constant 0 : index
    %get3A_27 = arith.constant 0 : index
    %get3A_28 = vector.load %arg4[%get3A_26, %get3A_27] : memref<128x128xf32, #tpu.memory_space<vmem>>, vector<128x128xf32>
    %dot_general3A = arith.constant dense<0.000000e+00> : vector<2000x128xf32>
    %dot_general3A_29 = tpu.matmul %div3A_25, %get3A_28, %dot_general3A {dimension_numbers = #tpu.dot_dimension_numbers<[1], [0], [0], [1], [0, 0, 1, 1], [], []>, transpose_lhs_hint = false} : vector<2000x128xf32>, vector<128x128xf32>, vector<2000x128xf32> -> vector<2000x128xf32>
    %get3A_30 = arith.constant 0 : index
    %get3A_31 = arith.constant 0 : index
    %get3A_32 = vector.load %arg5[%get3A_30, %get3A_31] : memref<1x128xf32, #tpu.memory_space<vmem>>, vector<1x128xf32>
    %add3A_33 = vector.broadcast %get3A_32 : vector<1x128xf32> to vector<2000x128xf32>
    %add3A_34 = arith.addf %dot_general3A_29, %add3A_33 : vector<2000x128xf32>
    %max3A = arith.constant 0.000000e+00 : f32
    %max3A_35 = vector.broadcast %max3A : f32 to vector<2000x128xf32>
    %max3A_36 = arith.maximumf %add3A_34, %max3A_35 : vector<2000x128xf32>
    %swap3A = arith.constant 0 : index
    %swap3A_37 = arith.constant 0 : index
    %swap3A_38 = vector.load %arg6[%swap3A, %swap3A_37] : memref<2000x128xf32, #tpu.memory_space<vmem>>, vector<2000x128xf32>
    tpu.vector_store %arg6[%swap3A, %swap3A_37], %max3A_36 {strides = array<i32>} : memref<2000x128xf32, #tpu.memory_space<vmem>>, vector<2000x128xf32>,
    return
  }
  func.func @transform_0(%arg0: i32) -> (i32, i32, i32) {
    %c0_i32 = arith.constant 0 : i32
    %c0_i32_0 = arith.constant 0 : i32
    %c0_i32_1 = arith.constant 0 : i32
    return %c0_i32, %arg0, %c0_i32_0 : i32, i32, i32
  }
  func.func @transform_1(%arg0: i32) -> (i32, i32) {
    %c0_i32 = arith.constant 0 : i32
    %c0_i32_0 = arith.constant 0 : i32
    return %arg0, %c0_i32 : i32, i32
  }
  func.func @transform_2(%arg0: i32) -> (i32, i32) {
    %c0_i32 = arith.constant 0 : i32
    %c0_i32_0 = arith.constant 0 : i32
    return %arg0, %c0_i32 : i32, i32
  }
  func.func @transform_3(%arg0: i32) -> (i32, i32) {
    %c0_i32 = arith.constant 0 : i32
    %c0_i32_0 = arith.constant 0 : i32
    %c0_i32_1 = arith.constant 0 : i32
    return %c0_i32, %c0_i32_0 : i32, i32
  }
  func.func @transform_4(%arg0: i32) -> (i32, i32) {
    %c0_i32 = arith.constant 0 : i32
    %c0_i32_0 = arith.constant 0 : i32
    %c0_i32_1 = arith.constant 0 : i32
    return %c0_i32, %c0_i32_0 : i32, i32
  }
  func.func @transform_5(%arg0: i32) -> (i32, i32) {
    %c0_i32 = arith.constant 0 : i32
    %c0_i32_0 = arith.constant 0 : i32
    return %arg0, %c0_i32 : i32, i32
  }
}

</mosaic_0001>

<sc_bundles>
// kernel: kernel.6.cloned.1.call-start
scs
__scs_entry_jumppad:
0x0: {  	(pc) =	sbr.rel $0x88, $3  }
0x1: {  	(tag) =	ssettag $0x0;
	lr =	simm.s32 $0x1  }
0x2: {  	[smem:$0x3F9C] =	sst lr;
	_ =	strace $0xD0000000  }
0x3: {  	_ = 	snop  }
0x4: {  	_ = 	snop  }
0x5: {  	_ = 	snop  }
0x6: {  	_ = 	snop  }
0x7: {  	_ = 	snop  }
__scs_overlays_trampoline_lowered:
0x8: {  	[smem:$0x3FAB] =	sst s0  }
0x9: {  	[smem:$0x3FAC] =	sst s1  }
0xa: {  	[smem:$0x3FAD] =	sst s2  }
0xb: {  	[smem:$0x3FAE] =	sst s3  }
0xc: {  	[smem:$0x3FAF] =	sst s4  }
0xd: {  	[smem:$0x3FB0] =	sst s5  }
0xe: {  	[smem:$0x3FB1] =	sst s6  }
0xf: {  	[smem:$0x3FB2] =	sst s7  }
0x10: {  	[smem:$0x3FB3] =	sst s8  }
0x11: {  	[smem:$0x3FB4] =	sst s9;
	s0 =	simm.s32 @!p0 $0x0  }
0x12: {  	s1 =	sld [smem:$0x3F9A];
	s0 =	simm.s32 @p0 $0x1  }
0x13: {  	[smem:$0x3FB5] =	sst s0;
	s0 =	simm.s32 @!p1 $0x0  }
0x14: {  	s2 =	sld [smem:$0x3F99];
	s0 =	simm.s32 @p1 $0x1  }
0x15: {  	[smem:$0x3FB6] =	sst s0;
	s0 =	simm.s32 @!p2 $0x0  }
0x16: {  	s3 =	sld [smem:$0x3FDB];
	s0 =	simm.s32 @p2 $0x1  }
0x17: {  	s4 =	simm.s32 $0x1BF5;
	[smem:$0x3FB8] =	sst s0  }
0x18: {  	s0 =	sld [smem:$0x3F9B];
	_ =	swait.ge [sflag:s4], $0x0  }
0x19: {  	s7 =	sld [smem:$0x3F9C]  }
0x1a: {  	s8 =	sadd.s32 $0xFFFFE003, lr  }
0x1b: {  	s9 =	sadd.s32 $0xFFFFFEF7, lr;
	s5 =	simm.s32 $0xFFFFFFFF;
	p2 =	slt.u32 s8, $0xFFFFF086  }
0x1c: {  	p1 =	slt.u32 s9, $0xF7A;
	s5 =	simm.s32 @!p2 $0x0  }
0x1d: {  	s5 =	simm.s32 @p1 $0x1;
	p0 =	seq.s32 s7, s2  }
0x1e: {  	s7 =	smul.u32 @!p0 $0xF7A, s2;
	p2 =	seq.s32 @!p0 s5, $0x0  }
0x1f: {  	s9 =	smul.u32 $0xF7A, s1;
	s8 =	simm.s32 @!p0 $0x1BF5;
	p2 =	por !p2, p0  }
0x20: {  	[sflag:s8] =	ssyncset.s32 @!p0 $0xFFFFF086;
	s6 =	sadd.s32 @!p0 s3, s7;
	s7 =	simm.s32 @!p0 $0x108  }
0x21: {  	s3 =	sadd.s32 s3, s9;
	s6 =	sadd.s32 @!p0 $0x88, s6;
	s7 =	simm.s32 @p2 $0x1082  }
0x22: {  	[simem:s7], [sflag:s8] =	dma.local @!p0 [hbm:s6], $0xF7A  }
0x23: {  	s9 =	sor.u32 $0xD0000000, s2;
	s6 =	simm.s32 $0x108;
	_ =	swait.ge @!p0 [sflag:s8], $0x0  }
0x24: {  	s3 =	sadd.s32 $0x88, s3;
	s6 =	simm.s32 @!p1 $0x1082;
	[sflag:s4] =	ssyncset.s32 $0xFFFFF086  }
0x25: {  	[simem:s6], [sflag:s4] =	dma.local [hbm:s3], $0xF7A  }
0x26: {  	[smem:$0x3F9C] =	sst s1;
	(tag) =	ssettag s2;
	_ =	strace s9  }
0x27: {  	s1 =	sld [smem:$0x3FAC]  }
0x28: {  	s2 =	sld [smem:$0x3FAD]  }
0x29: {  	s4 =	sld [smem:$0x3FAF]  }
0x2a: {  	p0 =	seq.s32 s5, $0x0;
	s5 =	sld [smem:$0x3FB0]  }
0x2b: {  	s6 =	sld [smem:$0x3FB1]  }
0x2c: {  	s7 =	sld [smem:$0x3FB2]  }
0x2d: {  	s3 =	simm.s32 $0x108;
	s8 =	sld [smem:$0x3FB3]  }
0x2e: {  	s3 =	simm.s32 @!p0 $0x1082;
	s9 =	sld [smem:$0x3FB4]  }
0x2f: {  	lr =	sadd.s32 s0, s3;
	s0 =	sld [smem:$0x3FAB]  }
0x30: {  	s3 =	sld [smem:$0x3FAE]  }
0x31: {  	[smem:$0x3FB7] =	sst s10  }
0x32: {  	s10 =	sld [smem:$0x3FB5];
	_ =	sdelay $0x3  }
0x33: {  	p0 =	seq.s32 s10, $0x1;
	s10 =	sld [smem:$0x3FB7];
	_ =	sdelay $0x3  }
0x34: {  	[smem:$0x3FB7] =	sst s10  }
0x35: {  	s10 =	sld [smem:$0x3FB6];
	_ =	sdelay $0x3  }
0x36: {  	p1 =	seq.s32 s10, $0x1;
	s10 =	sld [smem:$0x3FB7];
	_ =	sdelay $0x3  }
0x37: {  	[smem:$0x3FB7] =	sst s10  }
0x38: {  	s10 =	sld [smem:$0x3FB8]  }
0x39: {  	_ = 	snop;
	(pc) =	sbr.ind lr, $3  }
0x3a: {  	_ = 	snop  }
0x3b: {  	_ = 	snop  }
0x3c: {  	p2 =	seq.s32 s10, $0x1;
	s10 =	sld [smem:$0x3FB7]  }
0x3d: {  	_ =	shalt  }
0x3e: {  	_ =	shalt  }
0x3f: {  	_ =	shalt  }
0x40: {  	_ =	shalt  }
0x41: {  	_ =	shalt  }
0x42: {  	_ =	shalt  }
0x43: {  	_ =	shalt  }
0x44: {  	_ =	shalt  }
0x45: {  	_ =	shalt  }
0x46: {  	_ =	shalt  }
0x47: {  	_ =	shalt  }
0x48: {  	_ =	shalt  }
0x49: {  	_ =	shalt  }
0x4a: {  	_ =	shalt  }
0x4b: {  	_ =	shalt  }
0x4c: {  	_ =	shalt  }
0x4d: {  	_ =	shalt  }
0x4e: {  	_ =	shalt  }
0x4f: {  	_ =	shalt  }
0x50: {  	_ =	shalt  }
0x51: {  	_ =	shalt  }
0x52: {  	_ =	shalt  }
0x53: {  	_ =	shalt  }
0x54: {  	_ =	shalt  }
0x55: {  	_ =	shalt  }
0x56: {  	_ =	shalt  }
0x57: {  	_ =	shalt  }
0x58: {  	_ =	shalt  }
0x59: {  	_ =	shalt  }
0x5a: {  	_ =	shalt  }
0x5b: {  	_ =	shalt  }
0x5c: {  	_ =	shalt  }
0x5d: {  	_ =	shalt  }
0x5e: {  	_ =	shalt  }
0x5f: {  	_ =	shalt  }
0x60: {  	_ =	shalt  }
0x61: {  	_ =	shalt  }
0x62: {  	_ =	shalt  }
0x63: {  	_ =	shalt  }
0x64: {  	_ =	shalt  }
0x65: {  	_ =	shalt  }
0x66: {  	_ =	shalt  }
0x67: {  	_ =	shalt  }
0x68: {  	_ =	shalt  }
0x69: {  	_ =	shalt  }
0x6a: {  	_ =	shalt  }
0x6b: {  	_ =	shalt  }
0x6c: {  	_ =	shalt  }
0x6d: {  	_ =	shalt  }
0x6e: {  	_ =	shalt  }
0x6f: {  	_ =	shalt  }
0x70: {  	_ =	shalt  }
0x71: {  	_ =	shalt  }
0x72: {  	_ =	shalt  }
0x73: {  	_ =	shalt  }
0x74: {  	_ =	shalt  }
0x75: {  	_ =	shalt  }
0x76: {  	_ =	shalt  }
0x77: {  	_ =	shalt  }
0x78: {  	_ =	shalt  }
0x79: {  	_ =	shalt  }
0x7a: {  	_ =	shalt  }
0x7b: {  	_ =	shalt  }
0x7c: {  	_ =	shalt  }
0x7d: {  	_ =	shalt  }
0x7e: {  	_ =	shalt  }
0x7f: {  	_ =	shalt  }
0x80: {  	_ =	shalt  }
0x81: {  	_ =	shalt  }
0x82: {  	_ =	shalt  }
0x83: {  	_ =	shalt  }
0x84: {  	_ =	shalt  }
0x85: {  	_ =	shalt  }
0x86: {  	_ =	shalt  }
0x87: {  	_ =	shalt  }
.Lfunc_end0:
.L_simem_size_0:
called_computation_lowered:
.L_overlay_start_0:
0x88: {  	s2 =	sld [smem:$0x3FD9]  }
0x89: {  	s3 =	sld [smem:$0x3FFE];
	_ =	sdelay $0x1  }
0x8a: {  	s1 =	srdreg.scid  }
0x8b: {  	s0 =	sand.u32 $0x1, s1  }
0x8c: {  	s17 =	sshll.u32 s0, $0xA;
	s2 =	sadd.s32 s3, s2  }
0x8d: {  	s2 =	sadd.s32 s2, s17  }
0x8e: {  	[smem:$0x3FC3] =	sst s2  }
0x8f: {  	_ = 	snop  }
0x90: {  	s2 =	sld [smem:$0x3FD0];
	(tm) =	ssettm $0x1  }
0x91: {  	s18 =	sld [smem:$0x3FFB];
	_ =	sdelay $0x3  }
0x92: {  	_ =	strace s18  }
0x93: {  	s3 =	sld [smem:$0x3FFC];
	_ =	sdelay $0x3  }
0x94: {  	_ =	strace s3  }
0x95: {  	s3 =	sld [smem:$0x3FFD];
	_ =	sdelay $0x3  }
0x96: {  	_ =	strace s3  }
0x97: {  	_ =	strace $0x8FFFFFFF  }
0x98: {  	s19 =	sld [smem:$0x3FDB];
	_ =	sdelay $0x1  }
0x99: {  	s4 =	simm.s32 $_scs_section_size  }
0x9a: {  	s5 =	simm.s32 $_size__tile_overlayer_lowered;
	s6 =	simm.s32 $_tile_overlayer_lowered  }
0x9b: {  	s22 =	simm.s32 $0x1BFF;
	s21 =	sshll.u32 s6, $0x1;
	s3 =	sadd.s32 s4, s19  }
0x9c: {  	s7 =	simm.s32 $0x0;
	s20 =	sshll.u32 s5, $0x1;
	s5 =	sadd.s32 s21, s3  }
0x9d: {  	[timem:s7], [sflag:s22] =	dma.local [hbm:s5], s20  }
0x9e: {  	_ =	swait.ge [sflag:s22], s20  }
0x9f: {  	s4 =	ssub.s32 $0x0, s20;
	[sflag:s22] =	ssyncset.done $0x0  }
0xa0: {  	[sflag:s22] =	ssyncadd.s32 s4;
	_ =	sdelay $0x1  }
0xa1: {  	s23 =	simm.s32 $0x1B8B  }
0xa2: {  	_ =	swait.ge [sflag:s23], $0x1  }
0xa3: {  	[sflag:s23] =	ssyncset.done $0x0  }
0xa4: {  	s25 =	simm.s32 $0x1B8E;
	s24 =	sld [smem:$0x3FFE];
	[sflag:s23] =	ssyncadd.s32 $0xFFFFFFFF  }
0xa5: {  	s26 =	simm.s32 $execute0_lowered;
	[smem:$0x3FD2] =	sst s25  }
0xa6: {  	s5 =	sshll.u32 s26, $0x1;
	_ =	strace $0x80000046;
	[dreg:$0x1] =	wrdreg $0xFFFFFFFF  }
0xa7: {  	s28 =	simm.s32 $_size_execute0_lowered;
	s3 =	sadd.s32 s3, s5;
	[dreg:$0x0] =	wrdreg $0x0  }
0xa8: {  	s5 =	sshll.u32 s28, $0x1;
	[dreg:$0x2] =	wrdreg s3  }
0xa9: {  	[dreg:$0x3] =	wrdreg s5  }
0xaa: {  	[dreg:$0x4] =	wrdreg $0xC0  }
0xab: {  	_ =	task [dreg:s7], $0x5FFFF  }
0xac: {  	[dreg:$0x1] =	wrdreg $0xFFFFFFFF  }
0xad: {  	[dreg:$0x0] =	wrdreg $0x60  }
0xae: {  	[dreg:$0x2] =	wrdreg s2  }
0xaf: {  	[dreg:$0x3] =	wrdreg s24  }
0xb0: {  	[dreg:$0x4] =	wrdreg $0x85000  }
0xb1: {  	[dreg:$0x5] =	wrdreg $0x1C5000  }
0xb2: {  	[dreg:$0x6] =	wrdreg $0x9  }
0xb3: {  	_ =	task.clear_ibuf [dreg:s7], $0x7FFFF;
	_ =	strace $0x90000046  }
0xb4: {  	s29 =	simm.s32 $0x9;
	_ =	strace $0x80000048  }
0xb5: {  	_ =	swait.ge [sflag:s29], $0x1  }
0xb6: {  	[sflag:s29] =	ssyncadd.s32 $0xFFFFFFFF  }
0xb7: {  	_ =	strace $0x90000048  }
0xb8: {  	_ =	sfence  }
0xb9: {  	s30 =	sld [smem:$0x0];
	_ =	sdelay $0x2  }
0xba: {  	s31 =	sshll.u32 s1, $0xD;
	s1 =	sshrl.u32 s1, $0x2  }
0xbb: {  	s3 =	sand.u32 $0x4000, s31;
	s1 =	sadd.s32 s1, s30  }
0xbc: {  	s0 =	sor.u32 s3, s0;
	s1 =	sshll.u32 s1, $0x11  }
0xbd: {  	s0 =	sor.u32 s1, s0  }
0xbe: {  	s0 =	sadd.s32 $0x8F2B, s0  }
0xbf: {  	[sflag:s0] =	ssyncadd.remote.s32 $0x1  }
0xc0: {  	_ =	sfence.sel $0xFFFF  }
0xc1: {  	[dreg:$0x0] =	wrdreg $0xFFFFFFFF;
	(pc) =	sbr.abs _section_cstart, $3  }
0xc2: {  	[dreg:$0x1] =	wrdreg $0xFFFFFFFF  }
0xc3: {  	_ =	task.clear_ibuf [dreg:s7], $0x2FFFF;
	_ =	strace $0x9FFFFFFF  }
0xc4: {  	(tm) =	ssettm $0x7FFFFFFF  }
0xc5: {  	_ =	shalt  }
tec
execute0_lowered:
.L_overlay_start_1:
0x0: {  	(tag) =	ssettag $0x1  }
0x1: {  	s0 =	rddreg [dreg:$0x0]  }
0x2: {  	s1 =	rddreg [dreg:$0x1];
	s2 =	srdreg.scid  }
0x3: {  	s3 =	rddreg [dreg:$0x2];
	s13 =	stileid.u32  }
0x4: {  	s4 =	rddreg [dreg:$0x3];
	s5 =	simm.s32 $0x0;
	s7 =	smul.u32 $0x14000, s13  }
0x5: {  	s28 =	simm.s32 $0x400;
	s29 =	simm.s32 $0x6;
	s9 =	smul.u32 $0x280, s13  }
0x6: {  	s30 =	simm.s32 $0x8480;
	s2 =	sand.u32 $0x1, s2;
	s11 =	smul.u32 $0x50000, s13  }
0x7: {  	s31 =	simm.s32 $0x4400;
	[smem:$0x7FF] =	sst s5;
	s6 =	smul.u32 $0x140000, s2  }
0x8: {  	s13 =	sshll.u32 s13, $0x1;
	s8 =	smul.u32 $0x2800, s2;
	_ =	strace $0x80000047  }
0x9: {  	s10 =	ssub.s32 $0x2, s2;
	s2 =	sor.u32 s2, s13;
	s15 =	sshrl.u32 s11, $0x2  }
0xa: {  	s16 =	sadd.s32 $0x80, s9;
	s21 =	sadd.s32 s9, s4;
	s25 =	sadd.s32 $0x180, s9  }
0xb: {  	s13 =	smul.u32 $0x2800, s2;
	s7 =	sadd.s32 s7, s6;
	s6 =	sadd.s32 $0x1A00, s1  }
0xc: {  	s8 =	sadd.s32 s9, s8;
	s20 =	sadd.s32 s15, s3;
	s17 =	sshll.u32 s16, $0x7  }
0xd: {  	s15 =	sadd.s32 $0x100, s9;
	s19 =	sadd.s32 s16, s4;
	s26 =	sshll.u32 s25, $0x7  }
0xe: {  	s9 =	sadd.s32 $0x200, s9;
	[dreg:$0x5] =	wrdreg s21;
	s7 =	sshrl.u32 s7, $0x3  }
0xf: {  	s8 =	sshrl.u32 s8, $0x3;
	s18 =	sadd.s32 s17, s3;
	[dreg:$0x7] =	wrdreg s19  }
0x10: {  	s22 =	sshll.u32 s15, $0x7;
	s24 =	sadd.s32 s15, s4;
	s11 =	sshll.u32 s9, $0x7  }
0x11: {  	s15 =	sadd.s32 s9, s4;
	s16 =	sshrl.u32 s13, $0x3;
	[dreg:$0x6] =	wrdreg s18  }
0x12: {  	s19 =	sadd.s32 $0x1A10, s1;
	s9 =	simm.s32 $0x8400;
	[dreg:$0x9] =	wrdreg s24  }
0x13: {  	s12 =	sadd.s32 s7, s1;
	s23 =	sadd.s32 s22, s3;
	[dreg:$0xd] =	wrdreg s15  }
0x14: {  	s14 =	sadd.s32 s8, s1;
	s7 =	sadd.s32 s26, s3;
	[dreg:$0x8] =	wrdreg s23  }
0x15: {  	s8 =	sshrl.u32 s10, $0x1;
	s2 =	sadd.s32 s11, s3;
	[dreg:$0xa] =	wrdreg s7  }
0x16: {  	s18 =	sadd.s32 $0x50000, s13;
	s22 =	sadd.s32 s6, s16;
	[dreg:$0xc] =	wrdreg s2  }
0x17: {  	s10 =	ssub.s32 s10, s8;
	s8 =	sadd.s32 s25, s4;
	[dreg:$0xe] =	wrdreg s22  }
0x18: {  	s11 =	simm.s32 $0x5;
	s2 =	sadd.s32 s16, s19;
	[dreg:$0xb] =	wrdreg s8  }
0x19: {  	s15 =	simm.s32 $0x0;
	s24 =	sadd.s32 $0x16400, s12;
	[dreg:$0x10] =	wrdreg s2  }
0x1a: {  	s17 =	sshrl.u32 s18, $0x3;
	s25 =	sadd.s32 $0x15A00, s14;
	[dreg:$0x11] =	wrdreg s24  }
0x1b: {  	s1 =	sadd.s32 $0xA010, s22;
	s12 =	simm.s32 $0x3;
	[dreg:$0x12] =	wrdreg s25  }
0x1c: {  	s14 =	simm.s32 $0x4;
	s23 =	sadd.s32 s6, s17;
	[dreg:$0x14] =	wrdreg s1  }
0x1d: {  	s26 =	smax.u32 s10, $0x1;
	s2 =	simm.s32 $0x80;
	[dreg:$0xf] =	wrdreg s23  }
0x1e: {  	v0 =	vimm.f32 $1.000000000e+00;
	v1 =	vimm.f32 $0.0e+00;
	s1 =	simm.s32 $0x1;
	s10 =	simm.s32 $0x2;
	[dreg:$0x13] =	wrdreg s26  }
.LBB2_1:
0x1f: {  	[tilespmem:$0x8400] =	vst v0  }
0x20: {  	[tilespmem:$0x8480] =	vst v1  }
0x21: {  	[tilespmem:$0x8410] =	vst v0  }
0x22: {  	[tilespmem:$0x8490] =	vst v1  }
0x23: {  	[tilespmem:$0x8420] =	vst v0  }
0x24: {  	[tilespmem:$0x84A0] =	vst v1  }
0x25: {  	[tilespmem:$0x8430] =	vst v0  }
0x26: {  	[tilespmem:$0x84B0] =	vst v1  }
0x27: {  	[tilespmem:$0x8440] =	vst v0  }
0x28: {  	[tilespmem:$0x84C0] =	vst v1  }
0x29: {  	[tilespmem:$0x8450] =	vst v0  }
0x2a: {  	[tilespmem:$0x84D0] =	vst v1  }
0x2b: {  	[tilespmem:$0x8460] =	vst v0  }
0x2c: {  	[tilespmem:$0x84E0] =	vst v1  }
0x2d: {  	[tilespmem:$0x8470] =	vst v0  }
0x2e: {  	[tilespmem:$0x84F0] =	vst v1;
	s16 =	simm.s32 $0x0;
	s17 =	simm.s32 $0x200  }
.LBB2_2:
0x2f: {  	p0 =	sne.s32 s17, $0xFE00;
	[tilespmem:s16+$0x470] =	vst v1  }
0x30: {  	[tilespmem:s16+$0x400] =	vst v1  }
0x31: {  	[tilespmem:s16+$0x410] =	vst v1  }
.Ltmp0:
0x32: {  	[tilespmem:s16+$0x420] =	vst v1;
	(pc) =	sbr.rel @p0 .LBB2_2-.Ltmp0, $4  }
0x33: {  	[tilespmem:s16+$0x430] =	vst v1  }
0x34: {  	[tilespmem:s16+$0x440] =	vst v1  }
0x35: {  	[tilespmem:s16+$0x450] =	vst v1  }
0x36: {  	[tilespmem:s16+$0x460] =	vst v1;
	s16 =	sshra.s32 s17, $0x2;
	s17 =	sadd.s32 $0x200, s17  }
0x37: {  	[tilespmem:s16+$0x470] =	vst v1  }
0x38: {  	[tilespmem:s16+$0x400] =	vst v1  }
0x39: {  	[tilespmem:s16+$0x410] =	vst v1  }
0x3a: {  	[tilespmem:s16+$0x420] =	vst v1  }
0x3b: {  	[tilespmem:s16+$0x430] =	vst v1  }
0x3c: {  	[tilespmem:s16+$0x440] =	vst v1  }
0x3d: {  	[tilespmem:s16+$0x450] =	vst v1  }
0x3e: {  	[tilespmem:s16+$0x460] =	vst v1  }
0x3f: {  	[spmem:s20] =	stream.linear.scatter [tilespmem:s28], [sflag:$0x6], $0x4000, $0x38;
	[tilespmem:$0x1C780] =	vst v63  }
0x40: {  	_ =	swait.ge [sflag:s29], $0x4000  }
0x41: {  	[sflag:s29] =	ssyncset.done $0x0  }
0x42: {  	[sflag:s29] =	ssyncadd.s32 $0xFFFFC000  }
0x43: {  	[spmem:s21] =	stream.linear.scatter [tilespmem:s30], [sflag:$0x6], $0x80, $0x38;
	[tilespmem:$0x1C780] =	vst v63  }
0x44: {  	_ =	swait.ge [sflag:s29], $0x80  }
0x45: {  	[sflag:s29] =	ssyncset.done $0x0  }
0x46: {  	s7 =	rddreg [dreg:$0x6];
	[sflag:s29] =	ssyncadd.s32 $0xFFFFFF80  }
0x47: {  	[spmem:s7] =	stream.linear.scatter [tilespmem:s28], [sflag:$0x6], $0x4000, $0x38;
	[tilespmem:$0x1C780] =	vst v63  }
0x48: {  	_ =	swait.ge [sflag:s29], $0x4000  }
0x49: {  	[sflag:s29] =	ssyncset.done $0x0  }
0x4a: {  	s17 =	rddreg [dreg:$0x7];
	[sflag:s29] =	ssyncadd.s32 $0xFFFFC000  }
0x4b: {  	[spmem:s17] =	stream.linear.scatter [tilespmem:s30], [sflag:$0x6], $0x80, $0x38;
	[tilespmem:$0x1C780] =	vst v63  }
0x4c: {  	_ =	swait.ge [sflag:s29], $0x80  }
0x4d: {  	[sflag:s29] =	ssyncset.done $0x0  }
0x4e: {  	s8 =	smov.u32 s20;
	s20 =	rddreg [dreg:$0x8];
	[sflag:s29] =	ssyncadd.s32 $0xFFFFFF80  }
0x4f: {  	[spmem:s20] =	stream.linear.scatter [tilespmem:s28], [sflag:$0x6], $0x4000, $0x38;
	[tilespmem:$0x1C780] =	vst v63  }
0x50: {  	_ =	swait.ge [sflag:s29], $0x4000  }
0x51: {  	[sflag:s29] =	ssyncset.done $0x0  }
0x52: {  	s21 =	rddreg [dreg:$0x9];
	[sflag:s29] =	ssyncadd.s32 $0xFFFFC000  }
0x53: {  	[spmem:s21] =	stream.linear.scatter [tilespmem:s30], [sflag:$0x6], $0x80, $0x38;
	[tilespmem:$0x1C780] =	vst v63  }
0x54: {  	_ =	swait.ge [sflag:s29], $0x80  }
0x55: {  	[sflag:s29] =	ssyncset.done $0x0  }
0x56: {  	s22 =	rddreg [dreg:$0xa];
	[sflag:s29] =	ssyncadd.s32 $0xFFFFFF80  }
0x57: {  	[spmem:s22] =	stream.linear.scatter [tilespmem:s28], [sflag:$0x6], $0x4000, $0x38;
	[tilespmem:$0x1C780] =	vst v63  }
0x58: {  	_ =	swait.ge [sflag:s29], $0x4000  }
0x59: {  	[sflag:s29] =	ssyncset.done $0x0  }
0x5a: {  	s23 =	rddreg [dreg:$0xb];
	[sflag:s29] =	ssyncadd.s32 $0xFFFFC000  }
0x5b: {  	[spmem:s23] =	stream.linear.scatter [tilespmem:s30], [sflag:$0x6], $0x80, $0x38;
	[tilespmem:$0x1C780] =	vst v63  }
0x5c: {  	_ =	swait.ge [sflag:s29], $0x80  }
0x5d: {  	[sflag:s29] =	ssyncset.done $0x0  }
0x5e: {  	s24 =	rddreg [dreg:$0xc];
	[sflag:s29] =	ssyncadd.s32 $0xFFFFFF80  }
0x5f: {  	[spmem:s24] =	stream.linear.scatter [tilespmem:s28], [sflag:$0x6], $0x4000, $0x38;
	[tilespmem:$0x1C780] =	vst v63  }
0x60: {  	_ =	swait.ge [sflag:s29], $0x4000  }
0x61: {  	[sflag:s29] =	ssyncset.done $0x0  }
0x62: {  	s25 =	rddreg [dreg:$0xd];
	[sflag:s29] =	ssyncadd.s32 $0xFFFFC000  }
0x63: {  	[spmem:s25] =	stream.linear.scatter [tilespmem:s30], [sflag:$0x6], $0x80, $0x38;
	[tilespmem:$0x1C780] =	vst v63  }
0x64: {  	_ =	swait.ge [sflag:s29], $0x80  }
0x65: {  	[sflag:s29] =	ssyncset.done $0x0  }
0x66: {  	[sflag:s29] =	ssyncadd.s32 $0xFFFFFF80  }
0x67: {  	[bflag:$0x0] =	sbarrier.arrive $0xFFFF  }
0x68: {  	s26 =	simm.s32 $0x0;
	s17 =	rddreg [dreg:$0xe]  }
0x69: {  	[tilespmem:s26], [sflag:$0x6] =	stream.linear.gather [hbm4b:s17+s26], $0x80, $0x38;
	[tilespmem:$0x1C780] =	vst v63  }
0x6a: {  	_ =	swait.ge [sflag:s29], $0x80  }
0x6b: {  	[sflag:s29] =	ssyncset.done $0x0  }
0x6c: {  	s17 =	simm.s32 $0x200;
	s20 =	rddreg [dreg:$0xf];
	[sflag:s29] =	ssyncadd.s32 $0xFFFFFF80  }
0x6d: {  	[tilespmem:s17], [sflag:$0x6] =	stream.linear.gather [hbm4b:s20+s26], $0x80, $0x38;
	[tilespmem:$0x1C780] =	vst v63  }
0x6e: {  	_ =	swait.ge [sflag:s29], $0x80  }
0x6f: {  	[sflag:s29] =	ssyncset.done $0x0  }
0x70: {  	s21 =	rddreg [dreg:$0x10];
	[sflag:s29] =	ssyncadd.s32 $0xFFFFFF80  }
0x71: {  	[tilespmem:s2], [sflag:$0x6] =	stream.linear.gather [hbm4b:s21+s26], $0x80, $0x38;
	[tilespmem:$0x1C780] =	vst v63  }
0x72: {  	s16 =	sxor.u32 $0x1, s26;
	s24 =	simm.s32 $0x1;
	_ =	swait.ge [sflag:s29], $0x80  }
0x73: {  	s23 =	simm.s32 $0x280;
	s17 =	smin.u32 s24, $0x27;
	[sflag:s29] =	ssyncset.done $0x0  }
0x74: {  	s17 =	sshll.u32 s17, $0x8;
	s22 =	rddreg [dreg:$0x14];
	[sflag:s29] =	ssyncadd.s32 $0xFFFFFF80  }
0x75: {  	[tilespmem:s23], [sflag:$0x6] =	stream.linear.gather [hbm4b:s22+s26], $0x80, $0x38;
	[tilespmem:$0x1C780] =	vst v63  }
0x76: {  	s25 =	sadd.s32 s13, s17;
	s17 =	sadd.s32 s18, s17;
	_ =	swait.ge [sflag:s29], $0x80  }
0x77: {  	s17 =	sshrl.u32 s17, $0x3;
	s21 =	sshrl.u32 s25, $0x3;
	[sflag:s29] =	ssyncset.done $0x0  }
0x78: {  	s22 =	sshll.u32 s16, $0x8;
	s23 =	sadd.s32 s6, s21;
	[sflag:s29] =	ssyncadd.s32 $0xFFFFFF80  }
0x79: {  	[tilespmem:s22], [sflag:$0x3] =	stream.linear.gather [hbm4b:s23+s5], $0x80, $0x38;
	[tilespmem:$0x1C780] =	vst v63  }
0x7a: {  	s24 =	sadd.s32 s6, s17;
	s26 =	sadd.s32 $0x200, s22  }
0x7b: {  	[tilespmem:s26], [sflag:$0x4] =	stream.linear.gather [hbm4b:s24+s5], $0x80, $0x38;
	[tilespmem:$0x1C780] =	vst v63  }
0x7c: {  	s21 =	sadd.s32 s21, s19;
	s7 =	sor.u32 $0x80, s22  }
0x7d: {  	[tilespmem:s7], [sflag:$0x3] =	stream.linear.gather [hbm4b:s21+s5], $0x80, $0x38;
	[tilespmem:$0x1C780] =	vst v63  }
0x7e: {  	s17 =	sadd.s32 s17, s19;
	s20 =	sadd.s32 $0x280, s22  }
0x7f: {  	[tilespmem:s20], [sflag:$0x4] =	stream.linear.gather [hbm4b:s17+s5], $0x80, $0x38;
	[tilespmem:$0x1C780] =	vst v63  }
0x80: {  	s21 =	simm.s32 $0x0  }
0x81: {  	[tilespmem:s28], [sflag:$0x1] =	stream.indirect.gather [hbm4b:s0+s2], $0x80, s21, s2, $0xb8;
	[tilespmem:$0x1C780] =	vst v63  }
0x82: {  	s17 =	sor.u32 $0x80, s21  }
0x83: {  	[tilespmem:s31], [sflag:$0x2] =	stream.indirect.gather [hbm4b:s0+s2], $0x80, s17, s2, $0xb8;
	[tilespmem:$0x1C780] =	vst v63  }
0x84: {  	_ =	swait.ge [sflag:s1], $0x4000  }
0x85: {  	[sflag:s1] =	ssyncset.done $0x0  }
0x86: {  	s22 =	simm.s32 $0x200;
	[sflag:s1] =	ssyncadd.s32 $0xFFFFC000  }
0x87: {  	[spmem:s3] =	stream.indirect.scatter.add.f32 [tilespmem:s28], [sflag:$0x5], $0x80, s22, s2, $0xb8;
	[tilespmem:$0x1C780] =	vst v63  }
0x88: {  	_ = 	snop  }
0x89: {  	[spmem:s4] =	stream.indirect.scatter.add.f32 [tilespmem:s9], [sflag:$0x5], $0x1, s22, s2, $0xb8;
	[tilespmem:$0x1C780] =	vst v63  }
0x8a: {  	_ =	swait.ge [sflag:s10], $0x4000  }
0x8b: {  	[sflag:s10] =	ssyncset.done $0x0  }
0x8c: {  	s23 =	simm.s32 $0x280;
	[sflag:s10] =	ssyncadd.s32 $0xFFFFC000  }
0x8d: {  	[spmem:s3] =	stream.indirect.scatter.add.f32 [tilespmem:s31], [sflag:$0x5], $0x80, s23, s2, $0xb8;
	[tilespmem:$0x1C780] =	vst v63  }
0x8e: {  	_ = 	snop  }
0x8f: {  	[spmem:s4] =	stream.indirect.scatter.add.f32 [tilespmem:s9], [sflag:$0x5], $0x1, s23, s2, $0xb8;
	[tilespmem:$0x1C780] =	vst v63  }
0x90: {  	_ =	swait.ge [sflag:s11], $0x4000  }
0x91: {  	[sflag:s11] =	ssyncset.done $0x0  }
0x92: {  	[sflag:s11] =	ssyncadd.s32 $0xFFFFC000  }
0x93: {  	_ =	swait.ge [sflag:s11], $0x80  }
0x94: {  	[sflag:s11] =	ssyncset.done $0x0  }
0x95: {  	[sflag:s11] =	ssyncadd.s32 $0xFFFFFF80  }
0x96: {  	_ =	swait.ge [sflag:s11], $0x4000  }
0x97: {  	[sflag:s11] =	ssyncset.done $0x0  }
0x98: {  	[sflag:s11] =	ssyncadd.s32 $0xFFFFC000  }
0x99: {  	_ =	swait.ge [sflag:s11], $0x80  }
0x9a: {  	[sflag:s11] =	ssyncset.done $0x0  }
0x9b: {  	[sflag:s11] =	ssyncadd.s32 $0xFFFFFF80  }
0x9c: {  	_ =	swait.ge [sflag:s12], $0x80  }
0x9d: {  	[sflag:s12] =	ssyncset.done $0x0  }
0x9e: {  	[sflag:s12] =	ssyncadd.s32 $0xFFFFFF80  }
0x9f: {  	_ =	swait.ge [sflag:s14], $0x80  }
0xa0: {  	[sflag:s14] =	ssyncset.done $0x0  }
0xa1: {  	[sflag:s14] =	ssyncadd.s32 $0xFFFFFF80  }
0xa2: {  	s24 =	simm.s32 $0x2;
	_ =	swait.ge [sflag:s12], $0x80  }
0xa3: {  	s21 =	simm.s32 $0x3;
	s17 =	smin.u32 s24, $0x27;
	[sflag:s12] =	ssyncset.done $0x0  }
0xa4: {  	s25 =	sshll.u32 s17, $0x8;
	s17 =	sxor.u32 $0x1, s16;
	[sflag:s12] =	ssyncadd.s32 $0xFFFFFF80  }
0xa5: {  	s26 =	sadd.s32 s13, s25;
	s22 =	sadd.s32 s18, s25;
	_ =	swait.ge [sflag:s14], $0x80  }
0xa6: {  	s24 =	sshrl.u32 s26, $0x3;
	s23 =	sshrl.u32 s22, $0x3;
	[sflag:s14] =	ssyncset.done $0x0  }
.LBB2_4:
0xa7: {  	s26 =	sshll.u32 s17, $0x8  }
0xa8: {  	s25 =	sadd.s32 s6, s24;
	[sflag:s14] =	ssyncadd.s32 $0xFFFFFF80;
	s22 =	smov.u32 s21  }
0xa9: {  	[tilespmem:s26], [sflag:$0x3] =	stream.linear.gather [hbm4b:s25+s5], $0x80, $0x38;
	[tilespmem:$0x1C780] =	vst v63  }
0xaa: {  	s7 =	sadd.s32 s6, s23;
	s25 =	sadd.s32 $0x1, s21;
	s20 =	sadd.s32 $0x200, s26  }
0xab: {  	[tilespmem:s20], [sflag:$0x4] =	stream.linear.gather [hbm4b:s7+s5], $0x80, $0x38;
	[tilespmem:$0x1C780] =	vst v63  }
0xac: {  	p0 =	sne.s32 s21, $0x28;
	s7 =	sor.u32 $0x80, s26;
	s20 =	sadd.s32 s24, s19  }
0xad: {  	[tilespmem:s7], [sflag:$0x3] =	stream.linear.gather [hbm4b:s20+s5], $0x80, $0x38;
	[tilespmem:$0x1C780] =	vst v63  }
0xae: {  	s7 =	sadd.s32 $0x280, s26;
	s20 =	sadd.s32 s23, s19  }
0xaf: {  	[tilespmem:s7], [sflag:$0x4] =	stream.linear.gather [hbm4b:s20+s5], $0x80, $0x38;
	[tilespmem:$0x1C780] =	vst v63  }
0xb0: {  	s7 =	sshll.u32 s16, $0x8;
	s16 =	smov.u32 s17  }
0xb1: {  	[tilespmem:s28], [sflag:$0x1] =	stream.indirect.gather [hbm4b:s0+s2], $0x80, s7, s2, $0xb8;
	[tilespmem:$0x1C780] =	vst v63  }
0xb2: {  	s20 =	sor.u32 $0x80, s7  }
0xb3: {  	[tilespmem:s31], [sflag:$0x2] =	stream.indirect.gather [hbm4b:s0+s2], $0x80, s20, s2, $0xb8;
	[tilespmem:$0x1C780] =	vst v63  }
0xb4: {  	_ =	swait.ge [sflag:s1], $0x4000  }
0xb5: {  	[sflag:s1] =	ssyncset.done $0x0  }
0xb6: {  	s20 =	sadd.s32 $0x200, s7;
	[sflag:s1] =	ssyncadd.s32 $0xFFFFC000  }
0xb7: {  	[spmem:s3] =	stream.indirect.scatter.add.f32 [tilespmem:s28], [sflag:$0x5], $0x80, s20, s2, $0xb8;
	[tilespmem:$0x1C780] =	vst v63  }
0xb8: {  	_ = 	snop  }
0xb9: {  	[spmem:s4] =	stream.indirect.scatter.add.f32 [tilespmem:s9], [sflag:$0x5], $0x1, s20, s2, $0xb8;
	[tilespmem:$0x1C780] =	vst v63  }
0xba: {  	_ =	swait.ge [sflag:s10], $0x4000  }
0xbb: {  	[sflag:s10] =	ssyncset.done $0x0  }
0xbc: {  	s7 =	sadd.s32 $0x280, s7;
	[sflag:s10] =	ssyncadd.s32 $0xFFFFC000  }
0xbd: {  	[spmem:s3] =	stream.indirect.scatter.add.f32 [tilespmem:s31], [sflag:$0x5], $0x80, s7, s2, $0xb8;
	[tilespmem:$0x1C780] =	vst v63  }
0xbe: {  	_ = 	snop  }
0xbf: {  	[spmem:s4] =	stream.indirect.scatter.add.f32 [tilespmem:s9], [sflag:$0x5], $0x1, s7, s2, $0xb8;
	[tilespmem:$0x1C780] =	vst v63  }
0xc0: {  	_ =	swait.ge [sflag:s11], $0x4000  }
0xc1: {  	[sflag:s11] =	ssyncset.done $0x0  }
0xc2: {  	[sflag:s11] =	ssyncadd.s32 $0xFFFFC000  }
0xc3: {  	_ =	swait.ge [sflag:s11], $0x80  }
0xc4: {  	[sflag:s11] =	ssyncset.done $0x0  }
0xc5: {  	[sflag:s11] =	ssyncadd.s32 $0xFFFFFF80  }
0xc6: {  	_ =	swait.ge [sflag:s11], $0x4000  }
0xc7: {  	[sflag:s11] =	ssyncset.done $0x0  }
0xc8: {  	[sflag:s11] =	ssyncadd.s32 $0xFFFFC000  }
0xc9: {  	_ =	swait.ge [sflag:s11], $0x80  }
0xca: {  	[sflag:s11] =	ssyncset.done $0x0  }
0xcb: {  	[sflag:s11] =	ssyncadd.s32 $0xFFFFFF80  }
0xcc: {  	_ =	swait.ge [sflag:s12], $0x80  }
0xcd: {  	[sflag:s12] =	ssyncset.done $0x0  }
0xce: {  	[sflag:s12] =	ssyncadd.s32 $0xFFFFFF80  }
0xcf: {  	_ =	swait.ge [sflag:s14], $0x80  }
0xd0: {  	[sflag:s14] =	ssyncset.done $0x0  }
0xd1: {  	[sflag:s14] =	ssyncadd.s32 $0xFFFFFF80  }
.Ltmp1:
0xd2: {  	_ =	swait.ge [sflag:s12], $0x80;
	(pc) =	sbr.rel @p0 .LBB2_4-.Ltmp1, $4  }
0xd3: {  	s21 =	smov.u32 s25;
	s7 =	smin.u32 s22, $0x27;
	[sflag:s12] =	ssyncset.done $0x0  }
0xd4: {  	s17 =	sxor.u32 $0x1, s17;
	s7 =	sshll.u32 s7, $0x8;
	[sflag:s12] =	ssyncadd.s32 $0xFFFFFF80  }
0xd5: {  	s20 =	sadd.s32 s13, s7;
	s7 =	sadd.s32 s18, s7;
	_ =	swait.ge [sflag:s14], $0x80  }
0xd6: {  	s24 =	sshrl.u32 s20, $0x3;
	s23 =	sshrl.u32 s7, $0x3;
	[sflag:s14] =	ssyncset.done $0x0  }
0xd7: {  	s7 =	sshll.u32 s17, $0x8;
	s20 =	sadd.s32 s6, s24;
	[sflag:s14] =	ssyncadd.s32 $0xFFFFFF80  }
0xd8: {  	[tilespmem:s7], [sflag:$0x3] =	stream.linear.gather [hbm4b:s20+s5], $0x80, $0x38;
	[tilespmem:$0x1C780] =	vst v63  }
0xd9: {  	s21 =	sadd.s32 $0x200, s7;
	s20 =	sadd.s32 s6, s23  }
0xda: {  	[tilespmem:s21], [sflag:$0x4] =	stream.linear.gather [hbm4b:s20+s5], $0x80, $0x38;
	[tilespmem:$0x1C780] =	vst v63  }
0xdb: {  	s25 =	sadd.s32 s24, s19;
	s22 =	sor.u32 $0x80, s7  }
0xdc: {  	[tilespmem:s22], [sflag:$0x3] =	stream.linear.gather [hbm4b:s25+s5], $0x80, $0x38;
	[tilespmem:$0x1C780] =	vst v63  }
0xdd: {  	s26 =	sadd.s32 s23, s19;
	s7 =	sadd.s32 $0x280, s7  }
0xde: {  	[tilespmem:s7], [sflag:$0x4] =	stream.linear.gather [hbm4b:s26+s5], $0x80, $0x38;
	[tilespmem:$0x1C780] =	vst v63  }
0xdf: {  	s17 =	sshll.u32 s16, $0x8  }
0xe0: {  	[tilespmem:s28], [sflag:$0x1] =	stream.indirect.gather [hbm4b:s0+s2], $0x80, s17, s2, $0xb8;
	[tilespmem:$0x1C780] =	vst v63  }
0xe1: {  	s16 =	sor.u32 $0x80, s17  }
0xe2: {  	[tilespmem:s31], [sflag:$0x2] =	stream.indirect.gather [hbm4b:s0+s2], $0x80, s16, s2, $0xb8;
	[tilespmem:$0x1C780] =	vst v63  }
0xe3: {  	_ =	swait.ge [sflag:s1], $0x4000  }
0xe4: {  	[sflag:s1] =	ssyncset.done $0x0  }
0xe5: {  	s20 =	sadd.s32 $0x200, s17;
	[sflag:s1] =	ssyncadd.s32 $0xFFFFC000  }
0xe6: {  	[spmem:s3] =	stream.indirect.scatter.add.f32 [tilespmem:s28], [sflag:$0x5], $0x80, s20, s2, $0xb8;
	[tilespmem:$0x1C780] =	vst v63  }
0xe7: {  	_ = 	snop  }
0xe8: {  	[spmem:s4] =	stream.indirect.scatter.add.f32 [tilespmem:s9], [sflag:$0x5], $0x1, s20, s2, $0xb8;
	[tilespmem:$0x1C780] =	vst v63  }
0xe9: {  	_ =	swait.ge [sflag:s10], $0x4000  }
0xea: {  	[sflag:s10] =	ssyncset.done $0x0  }
0xeb: {  	s7 =	sadd.s32 $0x280, s17;
	[sflag:s10] =	ssyncadd.s32 $0xFFFFC000  }
0xec: {  	[spmem:s3] =	stream.indirect.scatter.add.f32 [tilespmem:s31], [sflag:$0x5], $0x80, s7, s2, $0xb8;
	[tilespmem:$0x1C780] =	vst v63  }
0xed: {  	_ = 	snop  }
0xee: {  	[spmem:s4] =	stream.indirect.scatter.add.f32 [tilespmem:s9], [sflag:$0x5], $0x1, s7, s2, $0xb8;
	[tilespmem:$0x1C780] =	vst v63  }
0xef: {  	_ =	swait.ge [sflag:s11], $0x4000  }
0xf0: {  	[sflag:s11] =	ssyncset.done $0x0  }
0xf1: {  	[sflag:s11] =	ssyncadd.s32 $0xFFFFC000  }
0xf2: {  	_ =	swait.ge [sflag:s11], $0x80  }
0xf3: {  	[sflag:s11] =	ssyncset.done $0x0  }
0xf4: {  	[sflag:s11] =	ssyncadd.s32 $0xFFFFFF80  }
0xf5: {  	_ =	swait.ge [sflag:s11], $0x4000  }
0xf6: {  	[sflag:s11] =	ssyncset.done $0x0  }
0xf7: {  	[sflag:s11] =	ssyncadd.s32 $0xFFFFC000  }
0xf8: {  	_ =	swait.ge [sflag:s11], $0x80  }
0xf9: {  	[sflag:s11] =	ssyncset.done $0x0  }
0xfa: {  	[sflag:s11] =	ssyncadd.s32 $0xFFFFFF80  }
0xfb: {  	_ =	swait.ge [sflag:s12], $0x80  }
0xfc: {  	[sflag:s12] =	ssyncset.done $0x0  }
0xfd: {  	[sflag:s12] =	ssyncadd.s32 $0xFFFFFF80  }
0xfe: {  	_ =	swait.ge [sflag:s14], $0x80  }
0xff: {  	[sflag:s14] =	ssyncset.done $0x0  }
0x100: {  	[sflag:s14] =	ssyncadd.s32 $0xFFFFFF80  }
0x101: {  	_ =	swait.ge [sflag:s12], $0x80  }
0x102: {  	[sflag:s12] =	ssyncset.done $0x0  }
0x103: {  	[sflag:s12] =	ssyncadd.s32 $0xFFFFFF80  }
0x104: {  	_ =	swait.ge [sflag:s14], $0x80  }
0x105: {  	[sflag:s14] =	ssyncset.done $0x0  }
0x106: {  	s21 =	stileid.u32;
	[sflag:s14] =	ssyncadd.s32 $0xFFFFFF80  }
0x107: {  	s7 =	sshll.u32 s21, $0x6;
	[bflag:$0x0] =	sbarrier.arrive $0xFFFF  }
0x108: {  	s22 =	sshrl.u32 s8, $0x3;
	s7 =	sor.u32 $0x1C06, s7;
	s23 =	rddreg [dreg:$0x11]  }
0x109: {  	[hbm:s23], [sflag:s7] =	dma.local [spmem:s22], $0x2800  }
0x10a: {  	_ =	swait.ge [sflag:s29], $0x2800  }
0x10b: {  	[sflag:s29] =	ssyncset.done $0x0;
	s21 =	rddreg [dreg:$0x5]  }
0x10c: {  	s25 =	rddreg [dreg:$0x12];
	[sflag:s29] =	ssyncadd.s32 $0xFFFFD800;
	s24 =	sshrl.u32 s21, $0x3  }
0x10d: {  	[hbm:s25], [sflag:s7] =	dma.local [spmem:s24], $0x50  }
0x10e: {  	_ =	swait.ge [sflag:s29], $0x50  }
0x10f: {  	s15 =	sadd.s32 $0x1, s15;
	s26 =	rddreg [dreg:$0x13]  }
0x110: {  	p0 =	sne.s32 s15, s26  }
.Ltmp2:
0x111: {  	_ = 	snop;
	(pc) =	sbr.rel @p0 .LBB2_1-.Ltmp2, $3  }
0x112: {  	_ =	sdelay $0x1  }
0x113: {  	[sflag:s29] =	ssyncset.done $0x0  }
0x114: {  	s20 =	smov.u32 s8;
	[sflag:s29] =	ssyncadd.s32 $0xFFFFFFB0  }
0x115: {  	_ =	sfence.sel $0x180000  }
0x116: {  	[bflag:$0x0] =	sbarrier.arrive $0xFFFF  }
0x117: {  	_ =	strace $0x90000047  }
0x118: {  	s0 =	stileid.u32;
	[bflag:$0x2] =	sbarrier.arrive $0xFFFF  }
0x119: {  	p0 =	sne.s32 s0, $0x0;
	s0 =	rddreg [dreg:$0x4]  }
0x11a: {  	s0 =	sadd.s32 @!p0 $0x100000, s0  }
0x11b: {  	[sflag:s0] =	ssyncadd.tile.s32 @!p0 $0x1;
	_ =	shalt  }
.Lfunc_end2:
_tile_overlayer_lowered:
.L_overlay_start_2:
0x11c: {  	(tag) =	ssettag $0x2  }
0x11d: {  	s0 =	rddreg [dreg:$0x0];
	s2 =	stileid.u32  }
0x11e: {  	s1 =	rddreg [dreg:$0x1];
	p0 =	sne.s32 s2, $0x0  }
0x11f: {  	s3 =	rddreg [dreg:$0x2];
	[bflag:$0x3] =	sbarrier.arrive $0xFFFF;
	s2 =	simm.s32 @!p0 $0x1C06  }
0x120: {  	[timem:s3], [sflag:s2] =	dma.local @!p0 [hbm:s0], s1  }
0x121: {  	s0 =	simm.s32 @!p0 $0x6  }
0x122: {  	_ =	swait.ge @!p0 [sflag:s0], s1  }
0x123: {  	s1 =	ssub.s32 @!p0 $0x0, s1;
	[sflag:s0] =	ssyncset.done @!p0 $0x0  }
0x124: {  	[sflag:s0] =	ssyncadd.s32 @!p0 s1  }
0x125: {  	[bflag:$0x3] =	sbarrier.arrive $0xFFFF  }
0x126: {  	_ =	shalt  }

</sc_bundles>
